<compile_context>
chip_gen: v7x
topology: tpu7x:2x2x1
jax: 0.10.2.dev20260603
libtpu: 0.0.44.dev20260713+nightly
codegen_flags: <defaults>
</compile_context>

<pallas_src>
import functools

import jax
import jax.numpy as jnp
from jax import lax
from jax.experimental import pallas as pl
from jax.experimental.pallas import tpu as pltpu
from jax.experimental.pallas import tpu_sc as plsc

N_NODES = 10000
N_EDGES = 320000
IN_FEAT = 128
OUT_FEAT = 128
NUM_RELS = 16
R17 = NUM_RELS + 1
HALF = OUT_FEAT // 2
NP = 2

NC = 2
NS = 16
NW = NC * NS
EPW = N_EDGES // NW
CHUNK = 200
NCH = 50
NBUF = 2
ACC_ROWS = N_NODES + 16
ZROWS = 80
NZB = N_NODES // ZROWS

NB = 10
BLK = N_NODES // NB


def _xw_body(f_ref, w_ref, o_ref):
    o_ref[...] = jnp.dot(f_ref[...], w_ref[0],
                         preferred_element_type=jnp.float32)


def _compute_xw(feat, w_all):
    return pl.pallas_call(
        _xw_body,
        grid=(NB, R17),
        in_specs=[
            pl.BlockSpec((BLK, IN_FEAT), lambda nb, r: (nb, 0)),
            pl.BlockSpec((1, IN_FEAT, OUT_FEAT), lambda nb, r: (r, 0, 0)),
        ],
        out_specs=pl.BlockSpec((BLK, OUT_FEAT), lambda nb, r: (r * NB + nb, 0)),
        out_shape=jax.ShapeDtypeStruct((R17 * N_NODES, OUT_FEAT), jnp.float32),
    )(feat, w_all)


def _sc_body(xw_hbm, g_hbm, d_hbm, out_hbm, gv, dv, bufs, zb, acc, sems):
    c = lax.axis_index("c")
    s = lax.axis_index("s")
    wid = c * NS + s

    pltpu.sync_copy(d_hbm.at[wid], dv)

    zvec = jnp.zeros((16,), jnp.float32)

    def _zfill(i, carry):
        zb[i // (HALF // 16), pl.ds((i % (HALF // 16)) * 16, 16)] = zvec
        return carry

    lax.fori_loop(0, ZROWS * (HALF // 16), _zfill, 0)

    for p in range(NP):
        pltpu.sync_copy(g_hbm.at[p * NW + wid], gv)

        def _zacc(k, carry):
            b = s + NS * k

            @pl.when(b < NZB)
            def _():
                pltpu.sync_copy(zb, acc.at[pl.ds(b * ZROWS, ZROWS)])

            return carry

        lax.fori_loop(0, (NZB + NS - 1) // NS, _zacc, 0)

        plsc.subcore_barrier()

        for b in range(NBUF):
            pltpu.async_copy(xw_hbm.at[gv.at[b]], bufs[b], sems[b])

        def _step(jj, carry):
            j = jj * NBUF
            for b in range(NBUF):
                pltpu.make_async_copy(xw_hbm.at[gv.at[j + b]], bufs[b],
                                      sems[b]).wait()
                pltpu.sync_copy(bufs[b], acc.at[dv.at[j + b]], add=True)

                @pl.when(j + b + NBUF < NCH)
                def _():
                    pltpu.async_copy(xw_hbm.at[gv.at[j + b + NBUF]], bufs[b],
                                     sems[b])

            return carry

        lax.fori_loop(0, NCH // NBUF, _step, 0)
        plsc.subcore_barrier()

        def _drain(k, carry):
            b = s + NS * k

            @pl.when(b < NZB)
            def _():
                pltpu.sync_copy(
                    acc.at[pl.ds(b * ZROWS, ZROWS)],
                    out_hbm.at[pl.ds((p * NC + c) * N_NODES + b * ZROWS, ZROWS)],
                )

            return carry

        lax.fori_loop(0, (NZB + NS - 1) // NS, _drain, 0)


@functools.cache
def _sc_gather_scatter():
    return pl.kernel(
        _sc_body,
        out_type=jax.ShapeDtypeStruct((NP * NC * N_NODES, HALF), jnp.float32),
        mesh=plsc.VectorSubcoreMesh(core_axis_name="c", subcore_axis_name="s"),
        scratch_types=[
            pltpu.VMEM((NCH, CHUNK), jnp.int32),
            pltpu.VMEM((NCH, CHUNK), jnp.int32),
            [pltpu.VMEM((CHUNK, HALF), jnp.float32) for _ in range(NBUF)],
            pltpu.VMEM((ZROWS, HALF), jnp.float32),
            pltpu.VMEM_SHARED((ACC_ROWS, HALF), jnp.float32),
            [pltpu.SemaphoreType.DMA for _ in range(NBUF)],
        ],
        compiler_params=pltpu.CompilerParams(use_tc_tiling_on_sc=False),
    )


def _combine_body(pa0, pb0, pa1, pb1, xl_ref, b_ref, o_ref):
    left = pa0[...] + pb0[...]
    right = pa1[...] + pb1[...]
    o_ref[...] = jnp.concatenate([left, right], axis=1) + xl_ref[...] + b_ref[:1]


def _combine(part, xw, bias2d):
    return pl.pallas_call(
        _combine_body,
        grid=(NB,),
        in_specs=[
            pl.BlockSpec((BLK, HALF), lambda nb: (nb, 0)),
            pl.BlockSpec((BLK, HALF), lambda nb: (NB + nb, 0)),
            pl.BlockSpec((BLK, HALF), lambda nb: (2 * NB + nb, 0)),
            pl.BlockSpec((BLK, HALF), lambda nb: (3 * NB + nb, 0)),
            pl.BlockSpec((BLK, OUT_FEAT), lambda nb: (NUM_RELS * NB + nb, 0)),
            pl.BlockSpec((8, OUT_FEAT), lambda nb: (0, 0)),
        ],
        out_specs=pl.BlockSpec((BLK, OUT_FEAT), lambda nb: (nb, 0)),
        out_shape=jax.ShapeDtypeStruct((N_NODES, OUT_FEAT), jnp.float32),
    )(part, part, part, part, xw, bias2d)


def kernel(feat, edge_index, etype, weight, h_bias, loop_weight):
    feat = feat.astype(jnp.float32)
    src = edge_index[0].astype(jnp.int32)
    dst = edge_index[1].astype(jnp.int32)
    et = etype.astype(jnp.int32)

    w_all = jnp.concatenate([weight, loop_weight[None]], axis=0)
    xw = _compute_xw(feat, w_all)
    xw_half = xw.reshape(R17 * N_NODES * NP, HALF)

    g2 = (2 * (et * N_NODES + src)).reshape(NW, EPW)
    g6 = jnp.stack([g2, g2 + 1]).reshape(NP * NW, NCH, CHUNK)
    d3 = dst.reshape(NW, NCH, CHUNK)

    part = _sc_gather_scatter()(xw_half, g6, d3)

    bias2d = jnp.broadcast_to(h_bias.reshape(1, OUT_FEAT), (8, OUT_FEAT))
    return _combine(part, xw, bias2d)

# --- scband reference (transcript-rebuilt; emitter-appended) ---
"""Pipeline reference for scband-rel-graph-conv-8263517078052 (READ-ONLY COPY).

The authoritative reference and input builder live on the scoring server;
editing this copy changes nothing except your own understanding.
"""

import jax, jax.numpy as jnp
import numpy as np

N_NODES = 10000
N_EDGES = 320000
IN_FEAT = 128
OUT_FEAT = 128
NUM_RELS = 16


def setup_inputs(seed: int = 0) -> dict:
    key = jax.random.key(seed)
    k1, k2, k3, k4, k5 = jax.random.split(key, 5)
    feat = jax.random.normal(k1, (N_NODES, IN_FEAT), dtype=jnp.float32)
    edge_index = jax.random.randint(k2, (2, N_EDGES), 0, N_NODES, dtype=jnp.int64)
    etype = jax.random.randint(k3, (N_EDGES,), 0, NUM_RELS, dtype=jnp.int64)
    # xavier_uniform with relu gain on weight [num_rels, in_feat, out_feat]
    gain = float(np.sqrt(2.0))
    bound_w = gain * float(np.sqrt(6.0 / (IN_FEAT + OUT_FEAT)))
    weight = jax.random.uniform(k4, (NUM_RELS, IN_FEAT, OUT_FEAT), dtype=jnp.float32, minval=-bound_w, maxval=bound_w)
    loop_weight = jax.random.uniform(k5, (IN_FEAT, OUT_FEAT), dtype=jnp.float32, minval=-bound_w, maxval=bound_w)
    h_bias = jnp.zeros((OUT_FEAT,), dtype=jnp.float32)
    return {"feat": feat, "edge_index": edge_index, "etype": etype, "weight": weight, "h_bias": h_bias, "loop_weight": loop_weight}


def reference(feat, edge_index, etype, weight, h_bias, loop_weight):
    src = edge_index[0]
    dst = edge_index[1]
    n_nodes = feat.shape[0]
    # per-edge message: m_e = feat[src_e] @ weight[etype_e]
    # computed math-equivalently via per-relation transform then (etype, src) gather
    # to avoid materializing [E, in, out] per-edge weight tensors
    xw = jnp.einsum('ni,rio->rno', feat, weight)  # [R, N, out]
    m = xw[etype, src]  # gather -> [E, out]
    # sum aggregation to destination nodes (fn.sum('m', 'h'))
    h = jax.ops.segment_sum(m, dst, num_segments=n_nodes)
    h = h + h_bias
    h = h + feat @ loop_weight  # self-loop (num_dst_nodes == n_nodes)
    return h

if __name__ == "__main__":
    import jax
    _d = setup_inputs()
    print(jax.jit(kernel)(*tuple(_d.values())))

</pallas_src>

<mosaic_0001>
#map = affine_map<(d0, d1) -> (0, 0)>
#map1 = affine_map<(d0, d1) -> (0, 0, 0)>
module attributes {stable_mosaic.version = 14 : i64} {
  func.func @_sc_body(%arg0: i32, %arg1: i32, %arg2: memref<340000x64xf32, #tpu.memory_space<hbm>>, %arg3: memref<64x50x200xi32, #tpu.memory_space<hbm>>, %arg4: memref<32x50x200xi32, #tpu.memory_space<hbm>>, %arg5: memref<40000x64xf32, #tpu.memory_space<hbm>>, %arg6: memref<50x200xi32, #tpu.memory_space<vmem>>, %arg7: memref<50x200xi32, #tpu.memory_space<vmem>>, %arg8: memref<200x64xf32, #tpu.memory_space<vmem>>, %arg9: memref<200x64xf32, #tpu.memory_space<vmem>>, %arg10: memref<80x64xf32, #tpu.memory_space<vmem>>, %arg11: memref<10016x64xf32, #tpu.memory_space<vmem_shared>>, %arg12: memref<!tpu.dma_semaphore, #tpu.memory_space<semaphore_mem>>, %arg13: memref<!tpu.dma_semaphore, #tpu.memory_space<semaphore_mem>>) attributes {dimension_semantics = [#tpu.dimension_semantics<core_parallel>, #tpu.dimension_semantics<subcore_parallel>], iteration_bounds = array<i64: 2, 16>, scalar_prefetch = 0 : i64, scratch_operands = 8 : i64, tpu.core_type = #tpu.core_type<sc_vector_subcore>, window_params = [{transform_indices = #map}, {transform_indices = #map1}, {transform_indices = #map1}, {transform_indices = #map}]} {
    %mul3A = arith.constant 16 : i32
    %mul3A_0 = arith.muli %arg0, %mul3A : i32
    %add3A = arith.addi %mul3A_0, %arg1 : i32
    "tpu.region"() ({
      %run_scoped3A = tpu.sem_alloc : memref<!tpu.dma_semaphore, #tpu.memory_space<semaphore_mem>>
      %dma_start3A_77 = arith.constant 0 : i32
      %dma_start3A_78 = arith.constant 0 : i32
      %dma_start3A_79 = tpu.memref_slice %arg4[%add3A, %dma_start3A_77, %dma_start3A_78] : memref<32x50x200xi32, #tpu.memory_space<hbm>> -> memref<1x50x200xi32, #tpu.memory_space<hbm>>
      %dma_start3A_80 = tpu.memref_squeeze %dma_start3A_79 : memref<1x50x200xi32, #tpu.memory_space<hbm>> -> memref<50x200xi32, #tpu.memory_space<hbm>>
      %dma_start3A_81 = arith.constant 0 : i32
      %dma_start3A_82 = arith.constant 0 : i32
      %dma_start3A_83 = tpu.memref_slice %arg4[%add3A, %dma_start3A_81, %dma_start3A_82] : memref<32x50x200xi32, #tpu.memory_space<hbm>> -> memref<1x50x200xi32, #tpu.memory_space<hbm>>
      %dma_start3A_84 = tpu.memref_squeeze %dma_start3A_83 : memref<1x50x200xi32, #tpu.memory_space<hbm>> -> memref<50x200xi32, #tpu.memory_space<hbm>>
      tpu.enqueue_dma source(%dma_start3A_84 : memref<50x200xi32, #tpu.memory_space<hbm>>) target(%arg7 : memref<50x200xi32, #tpu.memory_space<vmem>>) target_semaphore(%run_scoped3A : memref<!tpu.dma_semaphore, #tpu.memory_space<semaphore_mem>>)
      %dma_wait3A = arith.constant 0 : i32
      %dma_wait3A_85 = arith.constant 0 : i32
      %dma_wait3A_86 = tpu.memref_slice %arg4[%add3A, %dma_wait3A, %dma_wait3A_85] : memref<32x50x200xi32, #tpu.memory_space<hbm>> -> memref<1x50x200xi32, #tpu.memory_space<hbm>>
      %dma_wait3A_87 = tpu.memref_squeeze %dma_wait3A_86 : memref<1x50x200xi32, #tpu.memory_space<hbm>> -> memref<50x200xi32, #tpu.memory_space<hbm>>
      %dma_wait3A_88 = arith.constant 0 : i32
      %dma_wait3A_89 = arith.constant 0 : i32
      %dma_wait3A_90 = tpu.memref_slice %arg4[%add3A, %dma_wait3A_88, %dma_wait3A_89] : memref<32x50x200xi32, #tpu.memory_space<hbm>> -> memref<1x50x200xi32, #tpu.memory_space<hbm>>
      %dma_wait3A_91 = tpu.memref_squeeze %dma_wait3A_90 : memref<1x50x200xi32, #tpu.memory_space<hbm>> -> memref<50x200xi32, #tpu.memory_space<hbm>>
      tpu.wait_dma2 semaphore(%run_scoped3A : memref<!tpu.dma_semaphore, #tpu.memory_space<semaphore_mem>>) src(%dma_wait3A_91 : memref<50x200xi32, #tpu.memory_space<hbm>>) dst(%arg7 : memref<50x200xi32, #tpu.memory_space<vmem>>)
      tpu.yield
    }) : () -> ()
    %broadcast_in_dim3A = arith.constant 0.000000e+00 : f32
    %broadcast_in_dim3A_1 = vector.broadcast %broadcast_in_dim3A : f32 to vector<16xf32>
    %scan3A = arith.constant 0 : i32
    %scan3A_2 = arith.constant 0 : i32
    %scan3A_3 = arith.constant 320 : i32
    %scan3A_4 = arith.addi %scan3A_2, %scan3A_3 : i32
    %scan3A_5 = arith.constant 1 : i32
    scf.for %scan3A_77 = %scan3A_2 to %scan3A_4 step %scan3A_5  : i32 {
      %jit3A = arith.constant 4 : i32
      %div3A = arith.divsi %scan3A_77, %jit3A : i32
      %sign3A = arith.constant 0 : i32
      %sign3A_78 = arith.cmpi sgt, %scan3A_77, %sign3A : i32
      %sign3A_79 = arith.extui %sign3A_78 : i1 to i32
      %sign3A_80 = arith.constant 0 : i32
      %sign3A_81 = arith.cmpi slt, %scan3A_77, %sign3A_80 : i32
      %sign3A_82 = arith.extui %sign3A_81 : i1 to i32
      %sign3A_83 = arith.subi %sign3A_79, %sign3A_82 : i32
      %sign3A_84 = arith.constant 0 : i32
      %sign3A_85 = arith.cmpi sgt, %jit3A, %sign3A_84 : i32
      %sign3A_86 = arith.extui %sign3A_85 : i1 to i32
      %sign3A_87 = arith.constant 0 : i32
      %sign3A_88 = arith.cmpi slt, %jit3A, %sign3A_87 : i32
      %sign3A_89 = arith.extui %sign3A_88 : i1 to i32
      %sign3A_90 = arith.subi %sign3A_86, %sign3A_89 : i32
      %ne3A = arith.cmpi ne, %sign3A_83, %sign3A_90 : i32
      %rem3A = arith.remsi %scan3A_77, %jit3A : i32
      %ne3A_91 = arith.constant 0 : i32
      %ne3A_92 = arith.cmpi ne, %rem3A, %ne3A_91 : i32
      %and3A = arith.andi %ne3A, %ne3A_92 : i1
      %sub3A = arith.constant 1 : i32
      %sub3A_93 = arith.subi %div3A, %sub3A : i32
      %select_n3A = arith.select %and3A, %sub3A_93, %div3A : i32
      %jit3A_94 = arith.constant 4 : i32
      %eq3A = arith.constant 0 : i32
      %eq3A_95 = arith.cmpi eq, %jit3A_94, %eq3A : i32
      %jit3A_96 = arith.constant 1 : i32
      %select_n3A_97 = arith.select %eq3A_95, %jit3A_96, %jit3A_94 : i32
      %rem3A_98 = arith.remsi %scan3A_77, %select_n3A_97 : i32
      %ne3A_99 = arith.constant 0 : i32
      %ne3A_100 = arith.cmpi ne, %rem3A_98, %ne3A_99 : i32
      %lt3A = arith.constant 0 : i32
      %lt3A_101 = arith.cmpi slt, %rem3A_98, %lt3A : i32
      %lt3A_102 = arith.constant 0 : i32
      %lt3A_103 = arith.cmpi slt, %select_n3A_97, %lt3A_102 : i32
      %ne3A_104 = arith.xori %lt3A_101, %lt3A_103 : i1
      %and3A_105 = arith.andi %ne3A_104, %ne3A_100 : i1
      %add3A_106 = arith.addi %rem3A_98, %select_n3A_97 : i32
      %select_n3A_107 = arith.select %and3A_105, %add3A_106, %rem3A_98 : i32
      %mul3A_108 = arith.constant 16 : i32
      %mul3A_109 = arith.muli %select_n3A_107, %mul3A_108 : i32
      %swap3A = arith.index_cast %select_n3A : i32 to index
      %swap3A_110 = arith.index_cast %mul3A_109 : i32 to index
      %swap3A_111 = tpu.vector_load %arg10[%swap3A, %swap3A_110] {strides = array<i32>} : memref<80x64xf32, #tpu.memory_space<vmem>>, vector<1x16xf32>,
      %swap3A_112 = vector.shape_cast %swap3A_111 : vector<1x16xf32> to vector<16xf32>
      %swap3A_113 = vector.shape_cast %broadcast_in_dim3A_1 : vector<16xf32> to vector<1x16xf32>
      tpu.vector_store %arg10[%swap3A, %swap3A_110], %swap3A_113 {strides = array<i32>} : memref<80x64xf32, #tpu.memory_space<vmem>>, vector<1x16xf32>,
    }
    %scan3A_6 = arith.constant 320 : i32
    %add3A_7 = arith.constant 0 : i32
    %add3A_8 = arith.addi %add3A_7, %add3A : i32
    "tpu.region"() ({
      %run_scoped3A = tpu.sem_alloc : memref<!tpu.dma_semaphore, #tpu.memory_space<semaphore_mem>>
      %dma_start3A_77 = arith.constant 0 : i32
      %dma_start3A_78 = arith.constant 0 : i32
      %dma_start3A_79 = tpu.memref_slice %arg3[%add3A_8, %dma_start3A_77, %dma_start3A_78] : memref<64x50x200xi32, #tpu.memory_space<hbm>> -> memref<1x50x200xi32, #tpu.memory_space<hbm>>
      %dma_start3A_80 = tpu.memref_squeeze %dma_start3A_79 : memref<1x50x200xi32, #tpu.memory_space<hbm>> -> memref<50x200xi32, #tpu.memory_space<hbm>>
      %dma_start3A_81 = arith.constant 0 : i32
      %dma_start3A_82 = arith.constant 0 : i32
      %dma_start3A_83 = tpu.memref_slice %arg3[%add3A_8, %dma_start3A_81, %dma_start3A_82] : memref<64x50x200xi32, #tpu.memory_space<hbm>> -> memref<1x50x200xi32, #tpu.memory_space<hbm>>
      %dma_start3A_84 = tpu.memref_squeeze %dma_start3A_83 : memref<1x50x200xi32, #tpu.memory_space<hbm>> -> memref<50x200xi32, #tpu.memory_space<hbm>>
      tpu.enqueue_dma source(%dma_start3A_84 : memref<50x200xi32, #tpu.memory_space<hbm>>) target(%arg6 : memref<50x200xi32, #tpu.memory_space<vmem>>) target_semaphore(%run_scoped3A : memref<!tpu.dma_semaphore, #tpu.memory_space<semaphore_mem>>)
      %dma_wait3A = arith.constant 0 : i32
      %dma_wait3A_85 = arith.constant 0 : i32
      %dma_wait3A_86 = tpu.memref_slice %arg3[%add3A_8, %dma_wait3A, %dma_wait3A_85] : memref<64x50x200xi32, #tpu.memory_space<hbm>> -> memref<1x50x200xi32, #tpu.memory_space<hbm>>
      %dma_wait3A_87 = tpu.memref_squeeze %dma_wait3A_86 : memref<1x50x200xi32, #tpu.memory_space<hbm>> -> memref<50x200xi32, #tpu.memory_space<hbm>>
      %dma_wait3A_88 = arith.constant 0 : i32
      %dma_wait3A_89 = arith.constant 0 : i32
      %dma_wait3A_90 = tpu.memref_slice %arg3[%add3A_8, %dma_wait3A_88, %dma_wait3A_89] : memref<64x50x200xi32, #tpu.memory_space<hbm>> -> memref<1x50x200xi32, #tpu.memory_space<hbm>>
      %dma_wait3A_91 = tpu.memref_squeeze %dma_wait3A_90 : memref<1x50x200xi32, #tpu.memory_space<hbm>> -> memref<50x200xi32, #tpu.memory_space<hbm>>
      tpu.wait_dma2 semaphore(%run_scoped3A : memref<!tpu.dma_semaphore, #tpu.memory_space<semaphore_mem>>) src(%dma_wait3A_91 : memref<50x200xi32, #tpu.memory_space<hbm>>) dst(%arg6 : memref<50x200xi32, #tpu.memory_space<vmem>>)
      tpu.yield
    }) : () -> ()
    %scan3A_9 = arith.constant 0 : i32
    %scan3A_10 = arith.constant 0 : i32
    %scan3A_11 = arith.constant 8 : i32
    %scan3A_12 = arith.addi %scan3A_10, %scan3A_11 : i32
    %scan3A_13 = arith.constant 1 : i32
    scf.for %scan3A_77 = %scan3A_10 to %scan3A_12 step %scan3A_13  : i32 {
      %mul3A_78 = arith.constant 16 : i32
      %mul3A_79 = arith.muli %mul3A_78, %scan3A_77 : i32
      %add3A_80 = arith.addi %arg1, %mul3A_79 : i32
      %lt3A = arith.constant 125 : i32
      %lt3A_81 = arith.cmpi slt, %add3A_80, %lt3A : i32
      %convert_element_type3A = arith.extui %lt3A_81 : i1 to i32
      %cond3A = arith.constant 0 : i32
      %cond3A_82 = arith.cmpi ne, %convert_element_type3A, %cond3A : i32
      scf.if %cond3A_82 {
        %mul3A_83 = arith.constant 80 : i32
        %mul3A_84 = arith.muli %add3A_80, %mul3A_83 : i32
        "tpu.region"() ({
          %run_scoped3A = tpu.sem_alloc : memref<!tpu.dma_semaphore, #tpu.memory_space<semaphore_mem>>
          %dma_start3A_85 = arith.constant 0 : i32
          %dma_start3A_86 = tpu.memref_slice %arg11[%mul3A_84, %dma_start3A_85] : memref<10016x64xf32, #tpu.memory_space<vmem_shared>> -> memref<80x64xf32, #tpu.memory_space<vmem_shared>>
          %dma_start3A_87 = arith.constant 0 : i32
          %dma_start3A_88 = tpu.memref_slice %arg11[%mul3A_84, %dma_start3A_87] : memref<10016x64xf32, #tpu.memory_space<vmem_shared>> -> memref<80x64xf32, #tpu.memory_space<vmem_shared>>
          tpu.enqueue_dma source(%arg10 : memref<80x64xf32, #tpu.memory_space<vmem>>) target(%dma_start3A_88 : memref<80x64xf32, #tpu.memory_space<vmem_shared>>) target_semaphore(%run_scoped3A : memref<!tpu.dma_semaphore, #tpu.memory_space<semaphore_mem>>)
          %dma_wait3A = arith.constant 0 : i32
          %dma_wait3A_89 = tpu.memref_slice %arg11[%mul3A_84, %dma_wait3A] : memref<10016x64xf32, #tpu.memory_space<vmem_shared>> -> memref<80x64xf32, #tpu.memory_space<vmem_shared>>
          %dma_wait3A_90 = arith.constant 0 : i32
          %dma_wait3A_91 = tpu.memref_slice %arg11[%mul3A_84, %dma_wait3A_90] : memref<10016x64xf32, #tpu.memory_space<vmem_shared>> -> memref<80x64xf32, #tpu.memory_space<vmem_shared>>
          tpu.wait_dma2 semaphore(%run_scoped3A : memref<!tpu.dma_semaphore, #tpu.memory_space<semaphore_mem>>) src(%arg10 : memref<80x64xf32, #tpu.memory_space<vmem>>) dst(%dma_wait3A_91 : memref<80x64xf32, #tpu.memory_space<vmem_shared>>)
          tpu.yield
        }) : () -> ()
      } else {
      }
    }
    %scan3A_14 = arith.constant 8 : i32
    %barrier3A = arith.constant 0 : index
    tpu.barrier barrier_id(%barrier3A)
    %dma_start3A = arith.constant 0 : i32
    %dma_start3A_15 = arith.constant 0 : i32
    %dma_start3A_16 = tpu.memref_slice %arg6[%dma_start3A, %dma_start3A_15] : memref<50x200xi32, #tpu.memory_space<vmem>> -> memref<1x200xi32, #tpu.memory_space<vmem>>
    %dma_start3A_17 = tpu.memref_squeeze %dma_start3A_16 : memref<1x200xi32, #tpu.memory_space<vmem>> -> memref<200xi32, #tpu.memory_space<vmem>>
    %dma_start3A_18 = arith.constant 0 : i32
    %dma_start3A_19 = arith.constant 0 : i32
    %dma_start3A_20 = tpu.memref_slice %arg2[%dma_start3A_18, %dma_start3A_19] : memref<340000x64xf32, #tpu.memory_space<hbm>> -> memref<340000x64xf32, #tpu.memory_space<hbm>>
    tpu.enqueue_indirect_dma source(%dma_start3A_20 : memref<340000x64xf32, #tpu.memory_space<hbm>>) target(%arg8 : memref<200x64xf32, #tpu.memory_space<vmem>>) offsets(%dma_start3A_17 : memref<200xi32, #tpu.memory_space<vmem>>) semaphore(%arg12 : memref<!tpu.dma_semaphore, #tpu.memory_space<semaphore_mem>>)
    %dma_start3A_21 = arith.constant 1 : i32
    %dma_start3A_22 = arith.constant 0 : i32
    %dma_start3A_23 = tpu.memref_slice %arg6[%dma_start3A_21, %dma_start3A_22] : memref<50x200xi32, #tpu.memory_space<vmem>> -> memref<1x200xi32, #tpu.memory_space<vmem>>
    %dma_start3A_24 = tpu.memref_squeeze %dma_start3A_23 : memref<1x200xi32, #tpu.memory_space<vmem>> -> memref<200xi32, #tpu.memory_space<vmem>>
    %dma_start3A_25 = arith.constant 0 : i32
    %dma_start3A_26 = arith.constant 0 : i32
    %dma_start3A_27 = tpu.memref_slice %arg2[%dma_start3A_25, %dma_start3A_26] : memref<340000x64xf32, #tpu.memory_space<hbm>> -> memref<340000x64xf32, #tpu.memory_space<hbm>>
    tpu.enqueue_indirect_dma source(%dma_start3A_27 : memref<340000x64xf32, #tpu.memory_space<hbm>>) target(%arg9 : memref<200x64xf32, #tpu.memory_space<vmem>>) offsets(%dma_start3A_24 : memref<200xi32, #tpu.memory_space<vmem>>) semaphore(%arg13 : memref<!tpu.dma_semaphore, #tpu.memory_space<semaphore_mem>>)
    %scan3A_28 = arith.constant 0 : i32
    %scan3A_29 = arith.constant 0 : i32
    %scan3A_30 = arith.constant 25 : i32
    %scan3A_31 = arith.addi %scan3A_29, %scan3A_30 : i32
    %scan3A_32 = arith.constant 1 : i32
    scf.for %scan3A_77 = %scan3A_29 to %scan3A_31 step %scan3A_32  : i32 {
      %mul3A_78 = arith.constant 2 : i32
      %mul3A_79 = arith.muli %scan3A_77, %mul3A_78 : i32
      %add3A_80 = arith.constant 0 : i32
      %add3A_81 = arith.addi %mul3A_79, %add3A_80 : i32
      %dma_wait3A = arith.constant 0 : i32
      %dma_wait3A_82 = tpu.memref_slice %arg6[%add3A_81, %dma_wait3A] : memref<50x200xi32, #tpu.memory_space<vmem>> -> memref<1x200xi32, #tpu.memory_space<vmem>>
      %dma_wait3A_83 = tpu.memref_squeeze %dma_wait3A_82 : memref<1x200xi32, #tpu.memory_space<vmem>> -> memref<200xi32, #tpu.memory_space<vmem>>
      %dma_wait3A_84 = arith.constant 0 : i32
      %dma_wait3A_85 = arith.constant 0 : i32
      %dma_wait3A_86 = tpu.memref_slice %arg2[%dma_wait3A_84, %dma_wait3A_85] : memref<340000x64xf32, #tpu.memory_space<hbm>> -> memref<340000x64xf32, #tpu.memory_space<hbm>>
      tpu.wait_indirect_dma semaphore(%arg12 : memref<!tpu.dma_semaphore, #tpu.memory_space<semaphore_mem>>) src(%dma_wait3A_86 : memref<340000x64xf32, #tpu.memory_space<hbm>>) dst(%arg8 : memref<200x64xf32, #tpu.memory_space<vmem>>)
      %add3A_87 = arith.constant 0 : i32
      %add3A_88 = arith.addi %mul3A_79, %add3A_87 : i32
      "tpu.region"() ({
        %run_scoped3A = tpu.sem_alloc : memref<!tpu.dma_semaphore, #tpu.memory_space<semaphore_mem>>
        %dma_start3A_114 = arith.constant 0 : i32
        %dma_start3A_115 = tpu.memref_slice %arg7[%add3A_88, %dma_start3A_114] : memref<50x200xi32, #tpu.memory_space<vmem>> -> memref<1x200xi32, #tpu.memory_space<vmem>>
        %dma_start3A_116 = tpu.memref_squeeze %dma_start3A_115 : memref<1x200xi32, #tpu.memory_space<vmem>> -> memref<200xi32, #tpu.memory_space<vmem>>
        %dma_start3A_117 = arith.constant 0 : i32
        %dma_start3A_118 = arith.constant 0 : i32
        %dma_start3A_119 = tpu.memref_slice %arg11[%dma_start3A_117, %dma_start3A_118] : memref<10016x64xf32, #tpu.memory_space<vmem_shared>> -> memref<10016x64xf32, #tpu.memory_space<vmem_shared>>
        tpu.enqueue_indirect_dma source(%arg8 : memref<200x64xf32, #tpu.memory_space<vmem>>) target(%dma_start3A_119 : memref<10016x64xf32, #tpu.memory_space<vmem_shared>>) offsets(%dma_start3A_116 : memref<200xi32, #tpu.memory_space<vmem>>) semaphore(%run_scoped3A : memref<!tpu.dma_semaphore, #tpu.memory_space<semaphore_mem>>) {add = true}
        %dma_wait3A_120 = arith.constant 0 : i32
        %dma_wait3A_121 = tpu.memref_slice %arg7[%add3A_88, %dma_wait3A_120] : memref<50x200xi32, #tpu.memory_space<vmem>> -> memref<1x200xi32, #tpu.memory_space<vmem>>
        %dma_wait3A_122 = tpu.memref_squeeze %dma_wait3A_121 : memref<1x200xi32, #tpu.memory_space<vmem>> -> memref<200xi32, #tpu.memory_space<vmem>>
        %dma_wait3A_123 = arith.constant 0 : i32
        %dma_wait3A_124 = arith.constant 0 : i32
        %dma_wait3A_125 = tpu.memref_slice %arg11[%dma_wait3A_123, %dma_wait3A_124] : memref<10016x64xf32, #tpu.memory_space<vmem_shared>> -> memref<10016x64xf32, #tpu.memory_space<vmem_shared>>
        tpu.wait_indirect_dma semaphore(%run_scoped3A : memref<!tpu.dma_semaphore, #tpu.memory_space<semaphore_mem>>) src(%arg8 : memref<200x64xf32, #tpu.memory_space<vmem>>) dst(%dma_wait3A_125 : memref<10016x64xf32, #tpu.memory_space<vmem_shared>>)
        tpu.yield
      }) : () -> ()
      %add3A_89 = arith.constant 0 : i32
      %add3A_90 = arith.addi %mul3A_79, %add3A_89 : i32
      %add3A_91 = arith.constant 2 : i32
      %add3A_92 = arith.addi %add3A_90, %add3A_91 : i32
      %lt3A = arith.constant 50 : i32
      %lt3A_93 = arith.cmpi slt, %add3A_92, %lt3A : i32
      %convert_element_type3A = arith.extui %lt3A_93 : i1 to i32
      %cond3A = arith.constant 0 : i32
      %cond3A_94 = arith.cmpi ne, %convert_element_type3A, %cond3A : i32
      scf.if %cond3A_94 {
        %add3A_114 = arith.constant 0 : i32
        %add3A_115 = arith.addi %mul3A_79, %add3A_114 : i32
        %add3A_116 = arith.constant 2 : i32
        %add3A_117 = arith.addi %add3A_115, %add3A_116 : i32
        %dma_start3A_118 = arith.constant 0 : i32
        %dma_start3A_119 = tpu.memref_slice %arg6[%add3A_117, %dma_start3A_118] : memref<50x200xi32, #tpu.memory_space<vmem>> -> memref<1x200xi32, #tpu.memory_space<vmem>>
        %dma_start3A_120 = tpu.memref_squeeze %dma_start3A_119 : memref<1x200xi32, #tpu.memory_space<vmem>> -> memref<200xi32, #tpu.memory_space<vmem>>
        %dma_start3A_121 = arith.constant 0 : i32
        %dma_start3A_122 = arith.constant 0 : i32
        %dma_start3A_123 = tpu.memref_slice %arg2[%dma_start3A_121, %dma_start3A_122] : memref<340000x64xf32, #tpu.memory_space<hbm>> -> memref<340000x64xf32, #tpu.memory_space<hbm>>
        tpu.enqueue_indirect_dma source(%dma_start3A_123 : memref<340000x64xf32, #tpu.memory_space<hbm>>) target(%arg8 : memref<200x64xf32, #tpu.memory_space<vmem>>) offsets(%dma_start3A_120 : memref<200xi32, #tpu.memory_space<vmem>>) semaphore(%arg12 : memref<!tpu.dma_semaphore, #tpu.memory_space<semaphore_mem>>)
      } else {
      }
      %add3A_95 = arith.constant 1 : i32
      %add3A_96 = arith.addi %mul3A_79, %add3A_95 : i32
      %dma_wait3A_97 = arith.constant 0 : i32
      %dma_wait3A_98 = tpu.memref_slice %arg6[%add3A_96, %dma_wait3A_97] : memref<50x200xi32, #tpu.memory_space<vmem>> -> memref<1x200xi32, #tpu.memory_space<vmem>>
      %dma_wait3A_99 = tpu.memref_squeeze %dma_wait3A_98 : memref<1x200xi32, #tpu.memory_space<vmem>> -> memref<200xi32, #tpu.memory_space<vmem>>
      %dma_wait3A_100 = arith.constant 0 : i32
      %dma_wait3A_101 = arith.constant 0 : i32
      %dma_wait3A_102 = tpu.memref_slice %arg2[%dma_wait3A_100, %dma_wait3A_101] : memref<340000x64xf32, #tpu.memory_space<hbm>> -> memref<340000x64xf32, #tpu.memory_space<hbm>>
      tpu.wait_indirect_dma semaphore(%arg13 : memref<!tpu.dma_semaphore, #tpu.memory_space<semaphore_mem>>) src(%dma_wait3A_102 : memref<340000x64xf32, #tpu.memory_space<hbm>>) dst(%arg9 : memref<200x64xf32, #tpu.memory_space<vmem>>)
      %add3A_103 = arith.constant 1 : i32
      %add3A_104 = arith.addi %mul3A_79, %add3A_103 : i32
      "tpu.region"() ({
        %run_scoped3A = tpu.sem_alloc : memref<!tpu.dma_semaphore, #tpu.memory_space<semaphore_mem>>
        %dma_start3A_114 = arith.constant 0 : i32
        %dma_start3A_115 = tpu.memref_slice %arg7[%add3A_104, %dma_start3A_114] : memref<50x200xi32, #tpu.memory_space<vmem>> -> memref<1x200xi32, #tpu.memory_space<vmem>>
        %dma_start3A_116 = tpu.memref_squeeze %dma_start3A_115 : memref<1x200xi32, #tpu.memory_space<vmem>> -> memref<200xi32, #tpu.memory_space<vmem>>
        %dma_start3A_117 = arith.constant 0 : i32
        %dma_start3A_118 = arith.constant 0 : i32
        %dma_start3A_119 = tpu.memref_slice %arg11[%dma_start3A_117, %dma_start3A_118] : memref<10016x64xf32, #tpu.memory_space<vmem_shared>> -> memref<10016x64xf32, #tpu.memory_space<vmem_shared>>
        tpu.enqueue_indirect_dma source(%arg9 : memref<200x64xf32, #tpu.memory_space<vmem>>) target(%dma_start3A_119 : memref<10016x64xf32, #tpu.memory_space<vmem_shared>>) offsets(%dma_start3A_116 : memref<200xi32, #tpu.memory_space<vmem>>) semaphore(%run_scoped3A : memref<!tpu.dma_semaphore, #tpu.memory_space<semaphore_mem>>) {add = true}
        %dma_wait3A_120 = arith.constant 0 : i32
        %dma_wait3A_121 = tpu.memref_slice %arg7[%add3A_104, %dma_wait3A_120] : memref<50x200xi32, #tpu.memory_space<vmem>> -> memref<1x200xi32, #tpu.memory_space<vmem>>
        %dma_wait3A_122 = tpu.memref_squeeze %dma_wait3A_121 : memref<1x200xi32, #tpu.memory_space<vmem>> -> memref<200xi32, #tpu.memory_space<vmem>>
        %dma_wait3A_123 = arith.constant 0 : i32
        %dma_wait3A_124 = arith.constant 0 : i32
        %dma_wait3A_125 = tpu.memref_slice %arg11[%dma_wait3A_123, %dma_wait3A_124] : memref<10016x64xf32, #tpu.memory_space<vmem_shared>> -> memref<10016x64xf32, #tpu.memory_space<vmem_shared>>
        tpu.wait_indirect_dma semaphore(%run_scoped3A : memref<!tpu.dma_semaphore, #tpu.memory_space<semaphore_mem>>) src(%arg9 : memref<200x64xf32, #tpu.memory_space<vmem>>) dst(%dma_wait3A_125 : memref<10016x64xf32, #tpu.memory_space<vmem_shared>>)
        tpu.yield
      }) : () -> ()
      %add3A_105 = arith.constant 1 : i32
      %add3A_106 = arith.addi %mul3A_79, %add3A_105 : i32
      %add3A_107 = arith.constant 2 : i32
      %add3A_108 = arith.addi %add3A_106, %add3A_107 : i32
      %lt3A_109 = arith.constant 50 : i32
      %lt3A_110 = arith.cmpi slt, %add3A_108, %lt3A_109 : i32
      %convert_element_type3A_111 = arith.extui %lt3A_110 : i1 to i32
      %cond3A_112 = arith.constant 0 : i32
      %cond3A_113 = arith.cmpi ne, %convert_element_type3A_111, %cond3A_112 : i32
      scf.if %cond3A_113 {
        %add3A_114 = arith.constant 1 : i32
        %add3A_115 = arith.addi %mul3A_79, %add3A_114 : i32
        %add3A_116 = arith.constant 2 : i32
        %add3A_117 = arith.addi %add3A_115, %add3A_116 : i32
        %dma_start3A_118 = arith.constant 0 : i32
        %dma_start3A_119 = tpu.memref_slice %arg6[%add3A_117, %dma_start3A_118] : memref<50x200xi32, #tpu.memory_space<vmem>> -> memref<1x200xi32, #tpu.memory_space<vmem>>
        %dma_start3A_120 = tpu.memref_squeeze %dma_start3A_119 : memref<1x200xi32, #tpu.memory_space<vmem>> -> memref<200xi32, #tpu.memory_space<vmem>>
        %dma_start3A_121 = arith.constant 0 : i32
        %dma_start3A_122 = arith.constant 0 : i32
        %dma_start3A_123 = tpu.memref_slice %arg2[%dma_start3A_121, %dma_start3A_122] : memref<340000x64xf32, #tpu.memory_space<hbm>> -> memref<340000x64xf32, #tpu.memory_space<hbm>>
        tpu.enqueue_indirect_dma source(%dma_start3A_123 : memref<340000x64xf32, #tpu.memory_space<hbm>>) target(%arg9 : memref<200x64xf32, #tpu.memory_space<vmem>>) offsets(%dma_start3A_120 : memref<200xi32, #tpu.memory_space<vmem>>) semaphore(%arg13 : memref<!tpu.dma_semaphore, #tpu.memory_space<semaphore_mem>>)
      } else {
      }
    }
    %scan3A_33 = arith.constant 25 : i32
    %barrier3A_34 = arith.constant 0 : index
    tpu.barrier barrier_id(%barrier3A_34)
    %scan3A_35 = arith.constant 0 : i32
    %scan3A_36 = arith.constant 0 : i32
    %scan3A_37 = arith.constant 8 : i32
    %scan3A_38 = arith.addi %scan3A_36, %scan3A_37 : i32
    %scan3A_39 = arith.constant 1 : i32
    scf.for %scan3A_77 = %scan3A_36 to %scan3A_38 step %scan3A_39  : i32 {
      %mul3A_78 = arith.constant 16 : i32
      %mul3A_79 = arith.muli %mul3A_78, %scan3A_77 : i32
      %add3A_80 = arith.addi %arg1, %mul3A_79 : i32
      %lt3A = arith.constant 125 : i32
      %lt3A_81 = arith.cmpi slt, %add3A_80, %lt3A : i32
      %convert_element_type3A = arith.extui %lt3A_81 : i1 to i32
      %cond3A = arith.constant 0 : i32
      %cond3A_82 = arith.cmpi ne, %convert_element_type3A, %cond3A : i32
      scf.if %cond3A_82 {
        %mul3A_83 = arith.constant 80 : i32
        %mul3A_84 = arith.muli %add3A_80, %mul3A_83 : i32
        %add3A_85 = arith.constant 0 : i32
        %add3A_86 = arith.addi %add3A_85, %arg0 : i32
        %mul3A_87 = arith.constant 10000 : i32
        %mul3A_88 = arith.muli %add3A_86, %mul3A_87 : i32
        %mul3A_89 = arith.constant 80 : i32
        %mul3A_90 = arith.muli %add3A_80, %mul3A_89 : i32
        %add3A_91 = arith.addi %mul3A_88, %mul3A_90 : i32
        "tpu.region"() ({
          %run_scoped3A = tpu.sem_alloc : memref<!tpu.dma_semaphore, #tpu.memory_space<semaphore_mem>>
          %dma_start3A_92 = arith.constant 0 : i32
          %dma_start3A_93 = tpu.memref_slice %arg5[%add3A_91, %dma_start3A_92] : memref<40000x64xf32, #tpu.memory_space<hbm>> -> memref<80x64xf32, #tpu.memory_space<hbm>>
          %dma_start3A_94 = arith.constant 0 : i32
          %dma_start3A_95 = tpu.memref_slice %arg11[%mul3A_84, %dma_start3A_94] : memref<10016x64xf32, #tpu.memory_space<vmem_shared>> -> memref<80x64xf32, #tpu.memory_space<vmem_shared>>
          tpu.enqueue_dma source(%dma_start3A_95 : memref<80x64xf32, #tpu.memory_space<vmem_shared>>) target(%dma_start3A_93 : memref<80x64xf32, #tpu.memory_space<hbm>>) target_semaphore(%run_scoped3A : memref<!tpu.dma_semaphore, #tpu.memory_space<semaphore_mem>>)
          %dma_wait3A = arith.constant 0 : i32
          %dma_wait3A_96 = tpu.memref_slice %arg5[%add3A_91, %dma_wait3A] : memref<40000x64xf32, #tpu.memory_space<hbm>> -> memref<80x64xf32, #tpu.memory_space<hbm>>
          %dma_wait3A_97 = arith.constant 0 : i32
          %dma_wait3A_98 = tpu.memref_slice %arg11[%mul3A_84, %dma_wait3A_97] : memref<10016x64xf32, #tpu.memory_space<vmem_shared>> -> memref<80x64xf32, #tpu.memory_space<vmem_shared>>
          tpu.wait_dma2 semaphore(%run_scoped3A : memref<!tpu.dma_semaphore, #tpu.memory_space<semaphore_mem>>) src(%dma_wait3A_98 : memref<80x64xf32, #tpu.memory_space<vmem_shared>>) dst(%dma_wait3A_96 : memref<80x64xf32, #tpu.memory_space<hbm>>)
          tpu.yield
        }) : () -> ()
      } else {
      }
    }
    %scan3A_40 = arith.constant 8 : i32
    %add3A_41 = arith.constant 32 : i32
    %add3A_42 = arith.addi %add3A_41, %add3A : i32
    "tpu.region"() ({
      %run_scoped3A = tpu.sem_alloc : memref<!tpu.dma_semaphore, #tpu.memory_space<semaphore_mem>>
      %dma_start3A_77 = arith.constant 0 : i32
      %dma_start3A_78 = arith.constant 0 : i32
      %dma_start3A_79 = tpu.memref_slice %arg3[%add3A_42, %dma_start3A_77, %dma_start3A_78] : memref<64x50x200xi32, #tpu.memory_space<hbm>> -> memref<1x50x200xi32, #tpu.memory_space<hbm>>
      %dma_start3A_80 = tpu.memref_squeeze %dma_start3A_79 : memref<1x50x200xi32, #tpu.memory_space<hbm>> -> memref<50x200xi32, #tpu.memory_space<hbm>>
      %dma_start3A_81 = arith.constant 0 : i32
      %dma_start3A_82 = arith.constant 0 : i32
      %dma_start3A_83 = tpu.memref_slice %arg3[%add3A_42, %dma_start3A_81, %dma_start3A_82] : memref<64x50x200xi32, #tpu.memory_space<hbm>> -> memref<1x50x200xi32, #tpu.memory_space<hbm>>
      %dma_start3A_84 = tpu.memref_squeeze %dma_start3A_83 : memref<1x50x200xi32, #tpu.memory_space<hbm>> -> memref<50x200xi32, #tpu.memory_space<hbm>>
      tpu.enqueue_dma source(%dma_start3A_84 : memref<50x200xi32, #tpu.memory_space<hbm>>) target(%arg6 : memref<50x200xi32, #tpu.memory_space<vmem>>) target_semaphore(%run_scoped3A : memref<!tpu.dma_semaphore, #tpu.memory_space<semaphore_mem>>)
      %dma_wait3A = arith.constant 0 : i32
      %dma_wait3A_85 = arith.constant 0 : i32
      %dma_wait3A_86 = tpu.memref_slice %arg3[%add3A_42, %dma_wait3A, %dma_wait3A_85] : memref<64x50x200xi32, #tpu.memory_space<hbm>> -> memref<1x50x200xi32, #tpu.memory_space<hbm>>
      %dma_wait3A_87 = tpu.memref_squeeze %dma_wait3A_86 : memref<1x50x200xi32, #tpu.memory_space<hbm>> -> memref<50x200xi32, #tpu.memory_space<hbm>>
      %dma_wait3A_88 = arith.constant 0 : i32
      %dma_wait3A_89 = arith.constant 0 : i32
      %dma_wait3A_90 = tpu.memref_slice %arg3[%add3A_42, %dma_wait3A_88, %dma_wait3A_89] : memref<64x50x200xi32, #tpu.memory_space<hbm>> -> memref<1x50x200xi32, #tpu.memory_space<hbm>>
      %dma_wait3A_91 = tpu.memref_squeeze %dma_wait3A_90 : memref<1x50x200xi32, #tpu.memory_space<hbm>> -> memref<50x200xi32, #tpu.memory_space<hbm>>
      tpu.wait_dma2 semaphore(%run_scoped3A : memref<!tpu.dma_semaphore, #tpu.memory_space<semaphore_mem>>) src(%dma_wait3A_91 : memref<50x200xi32, #tpu.memory_space<hbm>>) dst(%arg6 : memref<50x200xi32, #tpu.memory_space<vmem>>)
      tpu.yield
    }) : () -> ()
    %scan3A_43 = arith.constant 0 : i32
    %scan3A_44 = arith.constant 0 : i32
    %scan3A_45 = arith.constant 8 : i32
    %scan3A_46 = arith.addi %scan3A_44, %scan3A_45 : i32
    %scan3A_47 = arith.constant 1 : i32
    scf.for %scan3A_77 = %scan3A_44 to %scan3A_46 step %scan3A_47  : i32 {
      %mul3A_78 = arith.constant 16 : i32
      %mul3A_79 = arith.muli %mul3A_78, %scan3A_77 : i32
      %add3A_80 = arith.addi %arg1, %mul3A_79 : i32
      %lt3A = arith.constant 125 : i32
      %lt3A_81 = arith.cmpi slt, %add3A_80, %lt3A : i32
      %convert_element_type3A = arith.extui %lt3A_81 : i1 to i32
      %cond3A = arith.constant 0 : i32
      %cond3A_82 = arith.cmpi ne, %convert_element_type3A, %cond3A : i32
      scf.if %cond3A_82 {
        %mul3A_83 = arith.constant 80 : i32
        %mul3A_84 = arith.muli %add3A_80, %mul3A_83 : i32
        "tpu.region"() ({
          %run_scoped3A = tpu.sem_alloc : memref<!tpu.dma_semaphore, #tpu.memory_space<semaphore_mem>>
          %dma_start3A_85 = arith.constant 0 : i32
          %dma_start3A_86 = tpu.memref_slice %arg11[%mul3A_84, %dma_start3A_85] : memref<10016x64xf32, #tpu.memory_space<vmem_shared>> -> memref<80x64xf32, #tpu.memory_space<vmem_shared>>
          %dma_start3A_87 = arith.constant 0 : i32
          %dma_start3A_88 = tpu.memref_slice %arg11[%mul3A_84, %dma_start3A_87] : memref<10016x64xf32, #tpu.memory_space<vmem_shared>> -> memref<80x64xf32, #tpu.memory_space<vmem_shared>>
          tpu.enqueue_dma source(%arg10 : memref<80x64xf32, #tpu.memory_space<vmem>>) target(%dma_start3A_88 : memref<80x64xf32, #tpu.memory_space<vmem_shared>>) target_semaphore(%run_scoped3A : memref<!tpu.dma_semaphore, #tpu.memory_space<semaphore_mem>>)
          %dma_wait3A = arith.constant 0 : i32
          %dma_wait3A_89 = tpu.memref_slice %arg11[%mul3A_84, %dma_wait3A] : memref<10016x64xf32, #tpu.memory_space<vmem_shared>> -> memref<80x64xf32, #tpu.memory_space<vmem_shared>>
          %dma_wait3A_90 = arith.constant 0 : i32
          %dma_wait3A_91 = tpu.memref_slice %arg11[%mul3A_84, %dma_wait3A_90] : memref<10016x64xf32, #tpu.memory_space<vmem_shared>> -> memref<80x64xf32, #tpu.memory_space<vmem_shared>>
          tpu.wait_dma2 semaphore(%run_scoped3A : memref<!tpu.dma_semaphore, #tpu.memory_space<semaphore_mem>>) src(%arg10 : memref<80x64xf32, #tpu.memory_space<vmem>>) dst(%dma_wait3A_91 : memref<80x64xf32, #tpu.memory_space<vmem_shared>>)
          tpu.yield
        }) : () -> ()
      } else {
      }
    }
    %scan3A_48 = arith.constant 8 : i32
    %barrier3A_49 = arith.constant 0 : index
    tpu.barrier barrier_id(%barrier3A_49)
    %dma_start3A_50 = arith.constant 0 : i32
    %dma_start3A_51 = arith.constant 0 : i32
    %dma_start3A_52 = tpu.memref_slice %arg6[%dma_start3A_50, %dma_start3A_51] : memref<50x200xi32, #tpu.memory_space<vmem>> -> memref<1x200xi32, #tpu.memory_space<vmem>>
    %dma_start3A_53 = tpu.memref_squeeze %dma_start3A_52 : memref<1x200xi32, #tpu.memory_space<vmem>> -> memref<200xi32, #tpu.memory_space<vmem>>
    %dma_start3A_54 = arith.constant 0 : i32
    %dma_start3A_55 = arith.constant 0 : i32
    %dma_start3A_56 = tpu.memref_slice %arg2[%dma_start3A_54, %dma_start3A_55] : memref<340000x64xf32, #tpu.memory_space<hbm>> -> memref<340000x64xf32, #tpu.memory_space<hbm>>
    tpu.enqueue_indirect_dma source(%dma_start3A_56 : memref<340000x64xf32, #tpu.memory_space<hbm>>) target(%arg8 : memref<200x64xf32, #tpu.memory_space<vmem>>) offsets(%dma_start3A_53 : memref<200xi32, #tpu.memory_space<vmem>>) semaphore(%arg12 : memref<!tpu.dma_semaphore, #tpu.memory_space<semaphore_mem>>)
    %dma_start3A_57 = arith.constant 1 : i32
    %dma_start3A_58 = arith.constant 0 : i32
    %dma_start3A_59 = tpu.memref_slice %arg6[%dma_start3A_57, %dma_start3A_58] : memref<50x200xi32, #tpu.memory_space<vmem>> -> memref<1x200xi32, #tpu.memory_space<vmem>>
    %dma_start3A_60 = tpu.memref_squeeze %dma_start3A_59 : memref<1x200xi32, #tpu.memory_space<vmem>> -> memref<200xi32, #tpu.memory_space<vmem>>
    %dma_start3A_61 = arith.constant 0 : i32
    %dma_start3A_62 = arith.constant 0 : i32
    %dma_start3A_63 = tpu.memref_slice %arg2[%dma_start3A_61, %dma_start3A_62] : memref<340000x64xf32, #tpu.memory_space<hbm>> -> memref<340000x64xf32, #tpu.memory_space<hbm>>
    tpu.enqueue_indirect_dma source(%dma_start3A_63 : memref<340000x64xf32, #tpu.memory_space<hbm>>) target(%arg9 : memref<200x64xf32, #tpu.memory_space<vmem>>) offsets(%dma_start3A_60 : memref<200xi32, #tpu.memory_space<vmem>>) semaphore(%arg13 : memref<!tpu.dma_semaphore, #tpu.memory_space<semaphore_mem>>)
    %scan3A_64 = arith.constant 0 : i32
    %scan3A_65 = arith.constant 0 : i32
    %scan3A_66 = arith.constant 25 : i32
    %scan3A_67 = arith.addi %scan3A_65, %scan3A_66 : i32
    %scan3A_68 = arith.constant 1 : i32
    scf.for %scan3A_77 = %scan3A_65 to %scan3A_67 step %scan3A_68  : i32 {
      %mul3A_78 = arith.constant 2 : i32
      %mul3A_79 = arith.muli %scan3A_77, %mul3A_78 : i32
      %add3A_80 = arith.constant 0 : i32
      %add3A_81 = arith.addi %mul3A_79, %add3A_80 : i32
      %dma_wait3A = arith.constant 0 : i32
      %dma_wait3A_82 = tpu.memref_slice %arg6[%add3A_81, %dma_wait3A] : memref<50x200xi32, #tpu.memory_space<vmem>> -> memref<1x200xi32, #tpu.memory_space<vmem>>
      %dma_wait3A_83 = tpu.memref_squeeze %dma_wait3A_82 : memref<1x200xi32, #tpu.memory_space<vmem>> -> memref<200xi32, #tpu.memory_space<vmem>>
      %dma_wait3A_84 = arith.constant 0 : i32
      %dma_wait3A_85 = arith.constant 0 : i32
      %dma_wait3A_86 = tpu.memref_slice %arg2[%dma_wait3A_84, %dma_wait3A_85] : memref<340000x64xf32, #tpu.memory_space<hbm>> -> memref<340000x64xf32, #tpu.memory_space<hbm>>
      tpu.wait_indirect_dma semaphore(%arg12 : memref<!tpu.dma_semaphore, #tpu.memory_space<semaphore_mem>>) src(%dma_wait3A_86 : memref<340000x64xf32, #tpu.memory_space<hbm>>) dst(%arg8 : memref<200x64xf32, #tpu.memory_space<vmem>>)
      %add3A_87 = arith.constant 0 : i32
      %add3A_88 = arith.addi %mul3A_79, %add3A_87 : i32
      "tpu.region"() ({
        %run_scoped3A = tpu.sem_alloc : memref<!tpu.dma_semaphore, #tpu.memory_space<semaphore_mem>>
        %dma_start3A_114 = arith.constant 0 : i32
        %dma_start3A_115 = tpu.memref_slice %arg7[%add3A_88, %dma_start3A_114] : memref<50x200xi32, #tpu.memory_space<vmem>> -> memref<1x200xi32, #tpu.memory_space<vmem>>
        %dma_start3A_116 = tpu.memref_squeeze %dma_start3A_115 : memref<1x200xi32, #tpu.memory_space<vmem>> -> memref<200xi32, #tpu.memory_space<vmem>>
        %dma_start3A_117 = arith.constant 0 : i32
        %dma_start3A_118 = arith.constant 0 : i32
        %dma_start3A_119 = tpu.memref_slice %arg11[%dma_start3A_117, %dma_start3A_118] : memref<10016x64xf32, #tpu.memory_space<vmem_shared>> -> memref<10016x64xf32, #tpu.memory_space<vmem_shared>>
        tpu.enqueue_indirect_dma source(%arg8 : memref<200x64xf32, #tpu.memory_space<vmem>>) target(%dma_start3A_119 : memref<10016x64xf32, #tpu.memory_space<vmem_shared>>) offsets(%dma_start3A_116 : memref<200xi32, #tpu.memory_space<vmem>>) semaphore(%run_scoped3A : memref<!tpu.dma_semaphore, #tpu.memory_space<semaphore_mem>>) {add = true}
        %dma_wait3A_120 = arith.constant 0 : i32
        %dma_wait3A_121 = tpu.memref_slice %arg7[%add3A_88, %dma_wait3A_120] : memref<50x200xi32, #tpu.memory_space<vmem>> -> memref<1x200xi32, #tpu.memory_space<vmem>>
        %dma_wait3A_122 = tpu.memref_squeeze %dma_wait3A_121 : memref<1x200xi32, #tpu.memory_space<vmem>> -> memref<200xi32, #tpu.memory_space<vmem>>
        %dma_wait3A_123 = arith.constant 0 : i32
        %dma_wait3A_124 = arith.constant 0 : i32
        %dma_wait3A_125 = tpu.memref_slice %arg11[%dma_wait3A_123, %dma_wait3A_124] : memref<10016x64xf32, #tpu.memory_space<vmem_shared>> -> memref<10016x64xf32, #tpu.memory_space<vmem_shared>>
        tpu.wait_indirect_dma semaphore(%run_scoped3A : memref<!tpu.dma_semaphore, #tpu.memory_space<semaphore_mem>>) src(%arg8 : memref<200x64xf32, #tpu.memory_space<vmem>>) dst(%dma_wait3A_125 : memref<10016x64xf32, #tpu.memory_space<vmem_shared>>)
        tpu.yield
      }) : () -> ()
      %add3A_89 = arith.constant 0 : i32
      %add3A_90 = arith.addi %mul3A_79, %add3A_89 : i32
      %add3A_91 = arith.constant 2 : i32
      %add3A_92 = arith.addi %add3A_90, %add3A_91 : i32
      %lt3A = arith.constant 50 : i32
      %lt3A_93 = arith.cmpi slt, %add3A_92, %lt3A : i32
      %convert_element_type3A = arith.extui %lt3A_93 : i1 to i32
      %cond3A = arith.constant 0 : i32
      %cond3A_94 = arith.cmpi ne, %convert_element_type3A, %cond3A : i32
      scf.if %cond3A_94 {
        %add3A_114 = arith.constant 0 : i32
        %add3A_115 = arith.addi %mul3A_79, %add3A_114 : i32
        %add3A_116 = arith.constant 2 : i32
        %add3A_117 = arith.addi %add3A_115, %add3A_116 : i32
        %dma_start3A_118 = arith.constant 0 : i32
        %dma_start3A_119 = tpu.memref_slice %arg6[%add3A_117, %dma_start3A_118] : memref<50x200xi32, #tpu.memory_space<vmem>> -> memref<1x200xi32, #tpu.memory_space<vmem>>
        %dma_start3A_120 = tpu.memref_squeeze %dma_start3A_119 : memref<1x200xi32, #tpu.memory_space<vmem>> -> memref<200xi32, #tpu.memory_space<vmem>>
        %dma_start3A_121 = arith.constant 0 : i32
        %dma_start3A_122 = arith.constant 0 : i32
        %dma_start3A_123 = tpu.memref_slice %arg2[%dma_start3A_121, %dma_start3A_122] : memref<340000x64xf32, #tpu.memory_space<hbm>> -> memref<340000x64xf32, #tpu.memory_space<hbm>>
        tpu.enqueue_indirect_dma source(%dma_start3A_123 : memref<340000x64xf32, #tpu.memory_space<hbm>>) target(%arg8 : memref<200x64xf32, #tpu.memory_space<vmem>>) offsets(%dma_start3A_120 : memref<200xi32, #tpu.memory_space<vmem>>) semaphore(%arg12 : memref<!tpu.dma_semaphore, #tpu.memory_space<semaphore_mem>>)
      } else {
      }
      %add3A_95 = arith.constant 1 : i32
      %add3A_96 = arith.addi %mul3A_79, %add3A_95 : i32
      %dma_wait3A_97 = arith.constant 0 : i32
      %dma_wait3A_98 = tpu.memref_slice %arg6[%add3A_96, %dma_wait3A_97] : memref<50x200xi32, #tpu.memory_space<vmem>> -> memref<1x200xi32, #tpu.memory_space<vmem>>
      %dma_wait3A_99 = tpu.memref_squeeze %dma_wait3A_98 : memref<1x200xi32, #tpu.memory_space<vmem>> -> memref<200xi32, #tpu.memory_space<vmem>>
      %dma_wait3A_100 = arith.constant 0 : i32
      %dma_wait3A_101 = arith.constant 0 : i32
      %dma_wait3A_102 = tpu.memref_slice %arg2[%dma_wait3A_100, %dma_wait3A_101] : memref<340000x64xf32, #tpu.memory_space<hbm>> -> memref<340000x64xf32, #tpu.memory_space<hbm>>
      tpu.wait_indirect_dma semaphore(%arg13 : memref<!tpu.dma_semaphore, #tpu.memory_space<semaphore_mem>>) src(%dma_wait3A_102 : memref<340000x64xf32, #tpu.memory_space<hbm>>) dst(%arg9 : memref<200x64xf32, #tpu.memory_space<vmem>>)
      %add3A_103 = arith.constant 1 : i32
      %add3A_104 = arith.addi %mul3A_79, %add3A_103 : i32
      "tpu.region"() ({
        %run_scoped3A = tpu.sem_alloc : memref<!tpu.dma_semaphore, #tpu.memory_space<semaphore_mem>>
        %dma_start3A_114 = arith.constant 0 : i32
        %dma_start3A_115 = tpu.memref_slice %arg7[%add3A_104, %dma_start3A_114] : memref<50x200xi32, #tpu.memory_space<vmem>> -> memref<1x200xi32, #tpu.memory_space<vmem>>
        %dma_start3A_116 = tpu.memref_squeeze %dma_start3A_115 : memref<1x200xi32, #tpu.memory_space<vmem>> -> memref<200xi32, #tpu.memory_space<vmem>>
        %dma_start3A_117 = arith.constant 0 : i32
        %dma_start3A_118 = arith.constant 0 : i32
        %dma_start3A_119 = tpu.memref_slice %arg11[%dma_start3A_117, %dma_start3A_118] : memref<10016x64xf32, #tpu.memory_space<vmem_shared>> -> memref<10016x64xf32, #tpu.memory_space<vmem_shared>>
        tpu.enqueue_indirect_dma source(%arg9 : memref<200x64xf32, #tpu.memory_space<vmem>>) target(%dma_start3A_119 : memref<10016x64xf32, #tpu.memory_space<vmem_shared>>) offsets(%dma_start3A_116 : memref<200xi32, #tpu.memory_space<vmem>>) semaphore(%run_scoped3A : memref<!tpu.dma_semaphore, #tpu.memory_space<semaphore_mem>>) {add = true}
        %dma_wait3A_120 = arith.constant 0 : i32
        %dma_wait3A_121 = tpu.memref_slice %arg7[%add3A_104, %dma_wait3A_120] : memref<50x200xi32, #tpu.memory_space<vmem>> -> memref<1x200xi32, #tpu.memory_space<vmem>>
        %dma_wait3A_122 = tpu.memref_squeeze %dma_wait3A_121 : memref<1x200xi32, #tpu.memory_space<vmem>> -> memref<200xi32, #tpu.memory_space<vmem>>
        %dma_wait3A_123 = arith.constant 0 : i32
        %dma_wait3A_124 = arith.constant 0 : i32
        %dma_wait3A_125 = tpu.memref_slice %arg11[%dma_wait3A_123, %dma_wait3A_124] : memref<10016x64xf32, #tpu.memory_space<vmem_shared>> -> memref<10016x64xf32, #tpu.memory_space<vmem_shared>>
        tpu.wait_indirect_dma semaphore(%run_scoped3A : memref<!tpu.dma_semaphore, #tpu.memory_space<semaphore_mem>>) src(%arg9 : memref<200x64xf32, #tpu.memory_space<vmem>>) dst(%dma_wait3A_125 : memref<10016x64xf32, #tpu.memory_space<vmem_shared>>)
        tpu.yield
      }) : () -> ()
      %add3A_105 = arith.constant 1 : i32
      %add3A_106 = arith.addi %mul3A_79, %add3A_105 : i32
      %add3A_107 = arith.constant 2 : i32
      %add3A_108 = arith.addi %add3A_106, %add3A_107 : i32
      %lt3A_109 = arith.constant 50 : i32
      %lt3A_110 = arith.cmpi slt, %add3A_108, %lt3A_109 : i32
      %convert_element_type3A_111 = arith.extui %lt3A_110 : i1 to i32
      %cond3A_112 = arith.constant 0 : i32
      %cond3A_113 = arith.cmpi ne, %convert_element_type3A_111, %cond3A_112 : i32
      scf.if %cond3A_113 {
        %add3A_114 = arith.constant 1 : i32
        %add3A_115 = arith.addi %mul3A_79, %add3A_114 : i32
        %add3A_116 = arith.constant 2 : i32
        %add3A_117 = arith.addi %add3A_115, %add3A_116 : i32
        %dma_start3A_118 = arith.constant 0 : i32
        %dma_start3A_119 = tpu.memref_slice %arg6[%add3A_117, %dma_start3A_118] : memref<50x200xi32, #tpu.memory_space<vmem>> -> memref<1x200xi32, #tpu.memory_space<vmem>>
        %dma_start3A_120 = tpu.memref_squeeze %dma_start3A_119 : memref<1x200xi32, #tpu.memory_space<vmem>> -> memref<200xi32, #tpu.memory_space<vmem>>
        %dma_start3A_121 = arith.constant 0 : i32
        %dma_start3A_122 = arith.constant 0 : i32
        %dma_start3A_123 = tpu.memref_slice %arg2[%dma_start3A_121, %dma_start3A_122] : memref<340000x64xf32, #tpu.memory_space<hbm>> -> memref<340000x64xf32, #tpu.memory_space<hbm>>
        tpu.enqueue_indirect_dma source(%dma_start3A_123 : memref<340000x64xf32, #tpu.memory_space<hbm>>) target(%arg9 : memref<200x64xf32, #tpu.memory_space<vmem>>) offsets(%dma_start3A_120 : memref<200xi32, #tpu.memory_space<vmem>>) semaphore(%arg13 : memref<!tpu.dma_semaphore, #tpu.memory_space<semaphore_mem>>)
      } else {
      }
    }
    %scan3A_69 = arith.constant 25 : i32
    %barrier3A_70 = arith.constant 0 : index
    tpu.barrier barrier_id(%barrier3A_70)
    %scan3A_71 = arith.constant 0 : i32
    %scan3A_72 = arith.constant 0 : i32
    %scan3A_73 = arith.constant 8 : i32
    %scan3A_74 = arith.addi %scan3A_72, %scan3A_73 : i32
    %scan3A_75 = arith.constant 1 : i32
    scf.for %scan3A_77 = %scan3A_72 to %scan3A_74 step %scan3A_75  : i32 {
      %mul3A_78 = arith.constant 16 : i32
      %mul3A_79 = arith.muli %mul3A_78, %scan3A_77 : i32
      %add3A_80 = arith.addi %arg1, %mul3A_79 : i32
      %lt3A = arith.constant 125 : i32
      %lt3A_81 = arith.cmpi slt, %add3A_80, %lt3A : i32
      %convert_element_type3A = arith.extui %lt3A_81 : i1 to i32
      %cond3A = arith.constant 0 : i32
      %cond3A_82 = arith.cmpi ne, %convert_element_type3A, %cond3A : i32
      scf.if %cond3A_82 {
        %mul3A_83 = arith.constant 80 : i32
        %mul3A_84 = arith.muli %add3A_80, %mul3A_83 : i32
        %add3A_85 = arith.constant 2 : i32
        %add3A_86 = arith.addi %add3A_85, %arg0 : i32
        %mul3A_87 = arith.constant 10000 : i32
        %mul3A_88 = arith.muli %add3A_86, %mul3A_87 : i32
        %mul3A_89 = arith.constant 80 : i32
        %mul3A_90 = arith.muli %add3A_80, %mul3A_89 : i32
        %add3A_91 = arith.addi %mul3A_88, %mul3A_90 : i32
        "tpu.region"() ({
          %run_scoped3A = tpu.sem_alloc : memref<!tpu.dma_semaphore, #tpu.memory_space<semaphore_mem>>
          %dma_start3A_92 = arith.constant 0 : i32
          %dma_start3A_93 = tpu.memref_slice %arg5[%add3A_91, %dma_start3A_92] : memref<40000x64xf32, #tpu.memory_space<hbm>> -> memref<80x64xf32, #tpu.memory_space<hbm>>
          %dma_start3A_94 = arith.constant 0 : i32
          %dma_start3A_95 = tpu.memref_slice %arg11[%mul3A_84, %dma_start3A_94] : memref<10016x64xf32, #tpu.memory_space<vmem_shared>> -> memref<80x64xf32, #tpu.memory_space<vmem_shared>>
          tpu.enqueue_dma source(%dma_start3A_95 : memref<80x64xf32, #tpu.memory_space<vmem_shared>>) target(%dma_start3A_93 : memref<80x64xf32, #tpu.memory_space<hbm>>) target_semaphore(%run_scoped3A : memref<!tpu.dma_semaphore, #tpu.memory_space<semaphore_mem>>)
          %dma_wait3A = arith.constant 0 : i32
          %dma_wait3A_96 = tpu.memref_slice %arg5[%add3A_91, %dma_wait3A] : memref<40000x64xf32, #tpu.memory_space<hbm>> -> memref<80x64xf32, #tpu.memory_space<hbm>>
          %dma_wait3A_97 = arith.constant 0 : i32
          %dma_wait3A_98 = tpu.memref_slice %arg11[%mul3A_84, %dma_wait3A_97] : memref<10016x64xf32, #tpu.memory_space<vmem_shared>> -> memref<80x64xf32, #tpu.memory_space<vmem_shared>>
          tpu.wait_dma2 semaphore(%run_scoped3A : memref<!tpu.dma_semaphore, #tpu.memory_space<semaphore_mem>>) src(%dma_wait3A_98 : memref<80x64xf32, #tpu.memory_space<vmem_shared>>) dst(%dma_wait3A_96 : memref<80x64xf32, #tpu.memory_space<hbm>>)
          tpu.yield
        }) : () -> ()
      } else {
      }
    }
    %scan3A_76 = arith.constant 8 : i32
    return
  }
}

module attributes {stable_mosaic.version = 14 : i64} {
  func.func @_xw_body(%arg0: i32, %arg1: i32, %arg2: memref<1000x128xf32, #tpu.memory_space<vmem>>, %arg3: memref<1x128x128xf32, #tpu.memory_space<vmem>>, %arg4: memref<1000x128xf32, #tpu.memory_space<vmem>>) attributes {dimension_semantics = [#tpu.dimension_semantics<arbitrary>, #tpu.dimension_semantics<arbitrary>], iteration_bounds = array<i64: 10, 17>, scalar_prefetch = 0 : i64, scratch_operands = 0 : i64, tpu.core_type = #tpu.core_type<tc>, window_params = [{transform_indices = @transform_0, window_bounds = array<i64: 1000, 128>}, {transform_indices = @transform_1, window_bounds = array<i64: 1, 128, 128>}, {transform_indices = @transform_2, window_bounds = array<i64: 1000, 128>}]} {
    %get3A = arith.constant 0 : index
    %get3A_0 = arith.constant 0 : index
    %get3A_1 = vector.load %arg2[%get3A, %get3A_0] : memref<1000x128xf32, #tpu.memory_space<vmem>>, vector<1000x128xf32>
    %get3A_2 = arith.constant 0 : index
    %get3A_3 = arith.constant 0 : index
    %get3A_4 = arith.constant 0 : index
    %get3A_5 = vector.load %arg3[%get3A_2, %get3A_3, %get3A_4] : memref<1x128x128xf32, #tpu.memory_space<vmem>>, vector<1x128x128xf32>
    %get3A_6 = vector.shape_cast %get3A_5 : vector<1x128x128xf32> to vector<128x128xf32>
    %dot_general3A = arith.constant dense<0.000000e+00> : vector<1000x128xf32>
    %dot_general3A_7 = tpu.matmul %get3A_1, %get3A_6, %dot_general3A {dimension_numbers = #tpu.dot_dimension_numbers<[1], [0], [0], [1], [0, 0, 1, 1], [], []>, transpose_lhs_hint = false} : vector<1000x128xf32>, vector<128x128xf32>, vector<1000x128xf32> -> vector<1000x128xf32>
    %swap3A = arith.constant 0 : index
    %swap3A_8 = arith.constant 0 : index
    %swap3A_9 = vector.load %arg4[%swap3A, %swap3A_8] : memref<1000x128xf32, #tpu.memory_space<vmem>>, vector<1000x128xf32>
    tpu.vector_store %arg4[%swap3A, %swap3A_8], %dot_general3A_7 {strides = array<i32>} : memref<1000x128xf32, #tpu.memory_space<vmem>>, vector<1000x128xf32>,
    return
  }
  func.func @transform_0(%arg0: i32, %arg1: i32) -> (i32, i32) {
    %c0_i32 = arith.constant 0 : i32
    %c0_i32_0 = arith.constant 0 : i32
    return %arg0, %c0_i32 : i32, i32
  }
  func.func @transform_1(%arg0: i32, %arg1: i32) -> (i32, i32, i32) {
    %c0_i32 = arith.constant 0 : i32
    %c0_i32_0 = arith.constant 0 : i32
    %c0_i32_1 = arith.constant 0 : i32
    return %arg1, %c0_i32, %c0_i32_0 : i32, i32, i32
  }
  func.func @transform_2(%arg0: i32, %arg1: i32) -> (i32, i32) {
    %mul3A = arith.constant 10 : i32
    %mul3A_0 = arith.muli %arg1, %mul3A : i32
    %add3A = arith.addi %mul3A_0, %arg0 : i32
    %c0_i32 = arith.constant 0 : i32
    %c0_i32_1 = arith.constant 0 : i32
    return %add3A, %c0_i32 : i32, i32
  }
}

module attributes {stable_mosaic.version = 14 : i64} {
  func.func @_combine_body(%arg0: i32, %arg1: memref<1000x64xf32, #tpu.memory_space<vmem>>, %arg2: memref<1000x64xf32, #tpu.memory_space<vmem>>, %arg3: memref<1000x64xf32, #tpu.memory_space<vmem>>, %arg4: memref<1000x64xf32, #tpu.memory_space<vmem>>, %arg5: memref<1000x128xf32, #tpu.memory_space<vmem>>, %arg6: memref<8x128xf32, #tpu.memory_space<vmem>>, %arg7: memref<1000x128xf32, #tpu.memory_space<vmem>>) attributes {dimension_semantics = [#tpu.dimension_semantics<arbitrary>], iteration_bounds = array<i64: 10>, scalar_prefetch = 0 : i64, scratch_operands = 0 : i64, tpu.core_type = #tpu.core_type<tc>, window_params = [{transform_indices = @transform_0, window_bounds = array<i64: 1000, 64>}, {transform_indices = @transform_1, window_bounds = array<i64: 1000, 64>}, {transform_indices = @transform_2, window_bounds = array<i64: 1000, 64>}, {transform_indices = @transform_3, window_bounds = array<i64: 1000, 64>}, {transform_indices = @transform_4, window_bounds = array<i64: 1000, 128>}, {pipeline_mode = #tpu.pipeline_mode<synchronous>, transform_indices = @transform_5, window_bounds = array<i64: 8, 128>}, {transform_indices = @transform_6, window_bounds = array<i64: 1000, 128>}]} {
    %get3A = arith.constant 0 : index
    %get3A_0 = arith.constant 0 : index
    %get3A_1 = vector.load %arg1[%get3A, %get3A_0] : memref<1000x64xf32, #tpu.memory_space<vmem>>, vector<1000x64xf32>
    %get3A_2 = arith.constant 0 : index
    %get3A_3 = arith.constant 0 : index
    %get3A_4 = vector.load %arg2[%get3A_2, %get3A_3] : memref<1000x64xf32, #tpu.memory_space<vmem>>, vector<1000x64xf32>
    %add3A = arith.addf %get3A_1, %get3A_4 : vector<1000x64xf32>
    %get3A_5 = arith.constant 0 : index
    %get3A_6 = arith.constant 0 : index
    %get3A_7 = vector.load %arg3[%get3A_5, %get3A_6] : memref<1000x64xf32, #tpu.memory_space<vmem>>, vector<1000x64xf32>
    %get3A_8 = arith.constant 0 : index
    %get3A_9 = arith.constant 0 : index
    %get3A_10 = vector.load %arg4[%get3A_8, %get3A_9] : memref<1000x64xf32, #tpu.memory_space<vmem>>, vector<1000x64xf32>
    %add3A_11 = arith.addf %get3A_7, %get3A_10 : vector<1000x64xf32>
    %concatenate3A = tpu.concatenate %add3A, %add3A_11 in 1 : vector<1000x64xf32>, vector<1000x64xf32> -> vector<1000x128xf32>
    %get3A_12 = arith.constant 0 : index
    %get3A_13 = arith.constant 0 : index
    %get3A_14 = vector.load %arg5[%get3A_12, %get3A_13] : memref<1000x128xf32, #tpu.memory_space<vmem>>, vector<1000x128xf32>
    %add3A_15 = arith.addf %concatenate3A, %get3A_14 : vector<1000x128xf32>
    %get3A_16 = arith.constant 0 : index
    %get3A_17 = arith.constant 0 : index
    %get3A_18 = vector.load %arg6[%get3A_16, %get3A_17] : memref<8x128xf32, #tpu.memory_space<vmem>>, vector<1x128xf32>
    %add3A_19 = vector.broadcast %get3A_18 : vector<1x128xf32> to vector<1000x128xf32>
    %add3A_20 = arith.addf %add3A_15, %add3A_19 : vector<1000x128xf32>
    %swap3A = arith.constant 0 : index
    %swap3A_21 = arith.constant 0 : index
    %swap3A_22 = vector.load %arg7[%swap3A, %swap3A_21] : memref<1000x128xf32, #tpu.memory_space<vmem>>, vector<1000x128xf32>
    tpu.vector_store %arg7[%swap3A, %swap3A_21], %add3A_20 {strides = array<i32>} : memref<1000x128xf32, #tpu.memory_space<vmem>>, vector<1000x128xf32>,
    return
  }
  func.func @transform_0(%arg0: i32) -> (i32, i32) {
    %c0_i32 = arith.constant 0 : i32
    %c0_i32_0 = arith.constant 0 : i32
    return %arg0, %c0_i32 : i32, i32
  }
  func.func @transform_1(%arg0: i32) -> (i32, i32) {
    %add3A = arith.constant 10 : i32
    %add3A_0 = arith.addi %add3A, %arg0 : i32
    %c0_i32 = arith.constant 0 : i32
    %c0_i32_1 = arith.constant 0 : i32
    return %add3A_0, %c0_i32 : i32, i32
  }
  func.func @transform_2(%arg0: i32) -> (i32, i32) {
    %add3A = arith.constant 20 : i32
    %add3A_0 = arith.addi %add3A, %arg0 : i32
    %c0_i32 = arith.constant 0 : i32
    %c0_i32_1 = arith.constant 0 : i32
    return %add3A_0, %c0_i32 : i32, i32
  }
  func.func @transform_3(%arg0: i32) -> (i32, i32) {
    %add3A = arith.constant 30 : i32
    %add3A_0 = arith.addi %add3A, %arg0 : i32
    %c0_i32 = arith.constant 0 : i32
    %c0_i32_1 = arith.constant 0 : i32
    return %add3A_0, %c0_i32 : i32, i32
  }
  func.func @transform_4(%arg0: i32) -> (i32, i32) {
    %add3A = arith.constant 160 : i32
    %add3A_0 = arith.addi %add3A, %arg0 : i32
    %c0_i32 = arith.constant 0 : i32
    %c0_i32_1 = arith.constant 0 : i32
    return %add3A_0, %c0_i32 : i32, i32
  }
  func.func @transform_5(%arg0: i32) -> (i32, i32) {
    %c0_i32 = arith.constant 0 : i32
    %c0_i32_0 = arith.constant 0 : i32
    %c0_i32_1 = arith.constant 0 : i32
    return %c0_i32, %c0_i32_0 : i32, i32
  }
  func.func @transform_6(%arg0: i32) -> (i32, i32) {
    %c0_i32 = arith.constant 0 : i32
    %c0_i32_0 = arith.constant 0 : i32
    return %arg0, %c0_i32 : i32, i32
  }
}

</mosaic_0001>

<sc_bundles>
// kernel: kernel.5.cloned.1.call-start
scs
__scs_entry_jumppad:
0x0: {  	(pc) =	sbr.rel $0x88, $3  }
0x1: {  	(tag) =	ssettag $0x0;
	lr =	simm.s32 $0x1  }
0x2: {  	[smem:$0x3F9B] =	sst lr;
	_ =	strace $0xD0000000  }
0x3: {  	_ = 	snop  }
0x4: {  	_ = 	snop  }
0x5: {  	_ = 	snop  }
0x6: {  	_ = 	snop  }
0x7: {  	_ = 	snop  }
__scs_overlays_trampoline_lowered:
0x8: {  	[smem:$0x3FAA] =	sst s0  }
0x9: {  	[smem:$0x3FAB] =	sst s1  }
0xa: {  	[smem:$0x3FAC] =	sst s2  }
0xb: {  	[smem:$0x3FAD] =	sst s3  }
0xc: {  	[smem:$0x3FAE] =	sst s4  }
0xd: {  	[smem:$0x3FAF] =	sst s5  }
0xe: {  	[smem:$0x3FB0] =	sst s6  }
0xf: {  	[smem:$0x3FB1] =	sst s7  }
0x10: {  	[smem:$0x3FB2] =	sst s8  }
0x11: {  	[smem:$0x3FB3] =	sst s9;
	s0 =	simm.s32 @!p0 $0x0  }
0x12: {  	s1 =	sld [smem:$0x3F99];
	s0 =	simm.s32 @p0 $0x1  }
0x13: {  	[smem:$0x3FB4] =	sst s0;
	s0 =	simm.s32 @!p1 $0x0  }
0x14: {  	s2 =	sld [smem:$0x3F98];
	s0 =	simm.s32 @p1 $0x1  }
0x15: {  	[smem:$0x3FB5] =	sst s0;
	s0 =	simm.s32 @!p2 $0x0  }
0x16: {  	s3 =	sld [smem:$0x3FDB];
	s0 =	simm.s32 @p2 $0x1  }
0x17: {  	s4 =	simm.s32 $0x1BF5;
	[smem:$0x3FB7] =	sst s0  }
0x18: {  	s0 =	sld [smem:$0x3F9A];
	_ =	swait.ge [sflag:s4], $0x0  }
0x19: {  	s7 =	sld [smem:$0x3F9B]  }
0x1a: {  	s8 =	sadd.s32 $0xFFFFE003, lr  }
0x1b: {  	s9 =	sadd.s32 $0xFFFFFEF7, lr;
	s5 =	simm.s32 $0xFFFFFFFF;
	p2 =	slt.u32 s8, $0xFFFFF086  }
0x1c: {  	p1 =	slt.u32 s9, $0xF7A;
	s5 =	simm.s32 @!p2 $0x0  }
0x1d: {  	s5 =	simm.s32 @p1 $0x1;
	p0 =	seq.s32 s7, s2  }
0x1e: {  	s7 =	smul.u32 @!p0 $0xF7A, s2;
	p2 =	seq.s32 @!p0 s5, $0x0  }
0x1f: {  	s9 =	smul.u32 $0xF7A, s1;
	s8 =	simm.s32 @!p0 $0x1BF5;
	p2 =	por !p2, p0  }
0x20: {  	[sflag:s8] =	ssyncset.s32 @!p0 $0xFFFFF086;
	s6 =	sadd.s32 @!p0 s3, s7;
	s7 =	simm.s32 @!p0 $0x108  }
0x21: {  	s3 =	sadd.s32 s3, s9;
	s6 =	sadd.s32 @!p0 $0x88, s6;
	s7 =	simm.s32 @p2 $0x1082  }
0x22: {  	[simem:s7], [sflag:s8] =	dma.local @!p0 [hbm:s6], $0xF7A  }
0x23: {  	s9 =	sor.u32 $0xD0000000, s2;
	s6 =	simm.s32 $0x108;
	_ =	swait.ge @!p0 [sflag:s8], $0x0  }
0x24: {  	s3 =	sadd.s32 $0x88, s3;
	s6 =	simm.s32 @!p1 $0x1082;
	[sflag:s4] =	ssyncset.s32 $0xFFFFF086  }
0x25: {  	[simem:s6], [sflag:s4] =	dma.local [hbm:s3], $0xF7A  }
0x26: {  	[smem:$0x3F9B] =	sst s1;
	(tag) =	ssettag s2;
	_ =	strace s9  }
0x27: {  	s1 =	sld [smem:$0x3FAB]  }
0x28: {  	s2 =	sld [smem:$0x3FAC]  }
0x29: {  	s4 =	sld [smem:$0x3FAE]  }
0x2a: {  	p0 =	seq.s32 s5, $0x0;
	s5 =	sld [smem:$0x3FAF]  }
0x2b: {  	s6 =	sld [smem:$0x3FB0]  }
0x2c: {  	s7 =	sld [smem:$0x3FB1]  }
0x2d: {  	s3 =	simm.s32 $0x108;
	s8 =	sld [smem:$0x3FB2]  }
0x2e: {  	s3 =	simm.s32 @!p0 $0x1082;
	s9 =	sld [smem:$0x3FB3]  }
0x2f: {  	lr =	sadd.s32 s0, s3;
	s0 =	sld [smem:$0x3FAA]  }
0x30: {  	s3 =	sld [smem:$0x3FAD]  }
0x31: {  	[smem:$0x3FB6] =	sst s10  }
0x32: {  	s10 =	sld [smem:$0x3FB4];
	_ =	sdelay $0x3  }
0x33: {  	p0 =	seq.s32 s10, $0x1;
	s10 =	sld [smem:$0x3FB6];
	_ =	sdelay $0x3  }
0x34: {  	[smem:$0x3FB6] =	sst s10  }
0x35: {  	s10 =	sld [smem:$0x3FB5];
	_ =	sdelay $0x3  }
0x36: {  	p1 =	seq.s32 s10, $0x1;
	s10 =	sld [smem:$0x3FB6];
	_ =	sdelay $0x3  }
0x37: {  	[smem:$0x3FB6] =	sst s10  }
0x38: {  	s10 =	sld [smem:$0x3FB7]  }
0x39: {  	_ = 	snop;
	(pc) =	sbr.ind lr, $3  }
0x3a: {  	_ = 	snop  }
0x3b: {  	_ = 	snop  }
0x3c: {  	p2 =	seq.s32 s10, $0x1;
	s10 =	sld [smem:$0x3FB6]  }
0x3d: {  	_ =	shalt  }
0x3e: {  	_ =	shalt  }
0x3f: {  	_ =	shalt  }
0x40: {  	_ =	shalt  }
0x41: {  	_ =	shalt  }
0x42: {  	_ =	shalt  }
0x43: {  	_ =	shalt  }
0x44: {  	_ =	shalt  }
0x45: {  	_ =	shalt  }
0x46: {  	_ =	shalt  }
0x47: {  	_ =	shalt  }
0x48: {  	_ =	shalt  }
0x49: {  	_ =	shalt  }
0x4a: {  	_ =	shalt  }
0x4b: {  	_ =	shalt  }
0x4c: {  	_ =	shalt  }
0x4d: {  	_ =	shalt  }
0x4e: {  	_ =	shalt  }
0x4f: {  	_ =	shalt  }
0x50: {  	_ =	shalt  }
0x51: {  	_ =	shalt  }
0x52: {  	_ =	shalt  }
0x53: {  	_ =	shalt  }
0x54: {  	_ =	shalt  }
0x55: {  	_ =	shalt  }
0x56: {  	_ =	shalt  }
0x57: {  	_ =	shalt  }
0x58: {  	_ =	shalt  }
0x59: {  	_ =	shalt  }
0x5a: {  	_ =	shalt  }
0x5b: {  	_ =	shalt  }
0x5c: {  	_ =	shalt  }
0x5d: {  	_ =	shalt  }
0x5e: {  	_ =	shalt  }
0x5f: {  	_ =	shalt  }
0x60: {  	_ =	shalt  }
0x61: {  	_ =	shalt  }
0x62: {  	_ =	shalt  }
0x63: {  	_ =	shalt  }
0x64: {  	_ =	shalt  }
0x65: {  	_ =	shalt  }
0x66: {  	_ =	shalt  }
0x67: {  	_ =	shalt  }
0x68: {  	_ =	shalt  }
0x69: {  	_ =	shalt  }
0x6a: {  	_ =	shalt  }
0x6b: {  	_ =	shalt  }
0x6c: {  	_ =	shalt  }
0x6d: {  	_ =	shalt  }
0x6e: {  	_ =	shalt  }
0x6f: {  	_ =	shalt  }
0x70: {  	_ =	shalt  }
0x71: {  	_ =	shalt  }
0x72: {  	_ =	shalt  }
0x73: {  	_ =	shalt  }
0x74: {  	_ =	shalt  }
0x75: {  	_ =	shalt  }
0x76: {  	_ =	shalt  }
0x77: {  	_ =	shalt  }
0x78: {  	_ =	shalt  }
0x79: {  	_ =	shalt  }
0x7a: {  	_ =	shalt  }
0x7b: {  	_ =	shalt  }
0x7c: {  	_ =	shalt  }
0x7d: {  	_ =	shalt  }
0x7e: {  	_ =	shalt  }
0x7f: {  	_ =	shalt  }
0x80: {  	_ =	shalt  }
0x81: {  	_ =	shalt  }
0x82: {  	_ =	shalt  }
0x83: {  	_ =	shalt  }
0x84: {  	_ =	shalt  }
0x85: {  	_ =	shalt  }
0x86: {  	_ =	shalt  }
0x87: {  	_ =	shalt  }
.Lfunc_end0:
.L_simem_size_0:
called_computation_lowered:
.L_overlay_start_0:
0x88: {  	s2 =	sld [smem:$0x3FD9]  }
0x89: {  	s3 =	sld [smem:$0x3FFE];
	_ =	sdelay $0x1  }
0x8a: {  	s1 =	srdreg.scid  }
0x8b: {  	s0 =	sand.u32 $0x1, s1  }
0x8c: {  	s17 =	sshll.u32 s0, $0xA;
	s2 =	sadd.s32 s3, s2  }
0x8d: {  	s2 =	sadd.s32 s2, s17  }
0x8e: {  	[smem:$0x3FC2] =	sst s2  }
0x8f: {  	_ = 	snop  }
0x90: {  	s2 =	sld [smem:$0x3FD0];
	(tm) =	ssettm $0x1  }
0x91: {  	s18 =	sld [smem:$0x3FFB];
	_ =	sdelay $0x3  }
0x92: {  	_ =	strace s18  }
0x93: {  	s3 =	sld [smem:$0x3FFC];
	_ =	sdelay $0x3  }
0x94: {  	_ =	strace s3  }
0x95: {  	s3 =	sld [smem:$0x3FFD];
	_ =	sdelay $0x3  }
0x96: {  	_ =	strace s3  }
0x97: {  	_ =	strace $0x8FFFFFFF  }
0x98: {  	s19 =	sld [smem:$0x3FDB];
	_ =	sdelay $0x1  }
0x99: {  	s4 =	simm.s32 $_scs_section_size  }
0x9a: {  	s5 =	simm.s32 $_size__tile_overlayer_lowered;
	s6 =	simm.s32 $_tile_overlayer_lowered  }
0x9b: {  	s22 =	simm.s32 $0x1BFF;
	s21 =	sshll.u32 s6, $0x1;
	s3 =	sadd.s32 s4, s19  }
0x9c: {  	s7 =	simm.s32 $0x0;
	s20 =	sshll.u32 s5, $0x1;
	s5 =	sadd.s32 s21, s3  }
0x9d: {  	[timem:s7], [sflag:s22] =	dma.local [hbm:s5], s20  }
0x9e: {  	_ =	swait.ge [sflag:s22], s20  }
0x9f: {  	s4 =	ssub.s32 $0x0, s20;
	[sflag:s22] =	ssyncset.done $0x0  }
0xa0: {  	[sflag:s22] =	ssyncadd.s32 s4;
	_ =	sdelay $0x1  }
0xa1: {  	s23 =	simm.s32 $0x1B8B  }
0xa2: {  	_ =	swait.ge [sflag:s23], $0x1  }
0xa3: {  	[sflag:s23] =	ssyncset.done $0x0  }
0xa4: {  	s25 =	simm.s32 $0x1B8E;
	s24 =	sld [smem:$0x3FFE];
	[sflag:s23] =	ssyncadd.s32 $0xFFFFFFFF  }
0xa5: {  	s26 =	simm.s32 $execute0_lowered;
	[smem:$0x3FD2] =	sst s25  }
0xa6: {  	s5 =	sshll.u32 s26, $0x1;
	_ =	strace $0x80000046;
	[dreg:$0x1] =	wrdreg $0xFFFFFFFF  }
0xa7: {  	s28 =	simm.s32 $_size_execute0_lowered;
	s3 =	sadd.s32 s3, s5;
	[dreg:$0x0] =	wrdreg $0x0  }
0xa8: {  	s5 =	sshll.u32 s28, $0x1;
	[dreg:$0x2] =	wrdreg s3  }
0xa9: {  	[dreg:$0x3] =	wrdreg s5  }
0xaa: {  	[dreg:$0x4] =	wrdreg $0xC0  }
0xab: {  	_ =	task [dreg:s7], $0x5FFFF  }
0xac: {  	[dreg:$0x1] =	wrdreg $0xFFFFFFFF  }
0xad: {  	[dreg:$0x0] =	wrdreg $0x60  }
0xae: {  	[dreg:$0x2] =	wrdreg s24  }
0xaf: {  	[dreg:$0x3] =	wrdreg s2  }
0xb0: {  	[dreg:$0x4] =	wrdreg $0xC6200  }
0xb1: {  	[dreg:$0x5] =	wrdreg $0x9  }
0xb2: {  	_ =	task.clear_ibuf [dreg:s7], $0x6FFFF;
	_ =	strace $0x90000046  }
0xb3: {  	s29 =	simm.s32 $0x9;
	_ =	strace $0x80000048  }
0xb4: {  	_ =	swait.ge [sflag:s29], $0x1  }
0xb5: {  	[sflag:s29] =	ssyncadd.s32 $0xFFFFFFFF  }
0xb6: {  	_ =	strace $0x90000048  }
0xb7: {  	_ =	sfence  }
0xb8: {  	s30 =	sld [smem:$0x0];
	_ =	sdelay $0x2  }
0xb9: {  	s31 =	sshll.u32 s1, $0xD;
	s1 =	sshrl.u32 s1, $0x2  }
0xba: {  	s3 =	sand.u32 $0x4000, s31;
	s1 =	sadd.s32 s1, s30  }
0xbb: {  	s0 =	sor.u32 s3, s0;
	s1 =	sshll.u32 s1, $0x11  }
0xbc: {  	s0 =	sor.u32 s1, s0  }
0xbd: {  	s0 =	sadd.s32 $0x8F2B, s0  }
0xbe: {  	[sflag:s0] =	ssyncadd.remote.s32 $0x1  }
0xbf: {  	_ =	sfence.sel $0xFFFF  }
0xc0: {  	[dreg:$0x0] =	wrdreg $0xFFFFFFFF;
	(pc) =	sbr.abs _section_cstart, $3  }
0xc1: {  	[dreg:$0x1] =	wrdreg $0xFFFFFFFF  }
0xc2: {  	_ =	task.clear_ibuf [dreg:s7], $0x2FFFF;
	_ =	strace $0x9FFFFFFF  }
0xc3: {  	(tm) =	ssettm $0x7FFFFFFF  }
tec
execute0_lowered:
.L_overlay_start_1:
0x0: {  	(tag) =	ssettag $0x1  }
0x1: {  	s0 =	srdreg.scid;
	s22 =	stileid.u32  }
0x2: {  	s0 =	sand.u32 $0x1, s0;
	s10 =	smul.u32 $0x280, s22  }
0x3: {  	s8 =	smul.u32 $0x13880, s0  }
0x4: {  	s6 =	sor.u32 $0x10, s22;
	s9 =	smul.u32 $0x2710, s0  }
0x5: {  	s5 =	sor.u32 $0x20, s22;
	s11 =	smul.u32 $0x280, s6  }
0x6: {  	s4 =	sor.u32 $0x30, s22;
	s12 =	smul.u32 $0x280, s5  }
0x7: {  	s1 =	sor.u32 $0x40, s22;
	s13 =	smul.u32 $0x280, s4  }
0x8: {  	s2 =	sor.u32 $0x50, s22;
	s14 =	smul.u32 $0x280, s1  }
0x9: {  	s3 =	sor.u32 $0x60, s22;
	s16 =	smul.u32 $0x280, s2  }
0xa: {  	s18 =	smul.u32 $0x280, s3  }
0xb: {  	s7 =	rddreg [dreg:$0x0];
	s15 =	sshll.u32 s0, $0x4;
	s23 =	smul.u32 $0x50, s1  }
0xc: {  	s17 =	ssub.s32 $0x2, s0;
	s0 =	sor.u32 $0x70, s22;
	s1 =	smul.u32 $0x5000, s1  }
0xd: {  	s19 =	sadd.s32 $0x2A2C00, s7;
	s20 =	sshrl.u32 s17, $0x1;
	s21 =	smul.u32 $0x280, s0  }
0xe: {  	s24 =	sor.u32 s22, s15;
	s20 =	ssub.s32 s17, s20;
	s8 =	sadd.s32 s19, s8  }
0xf: {  	s17 =	smul.u32 $0x50, s22;
	s10 =	sadd.s32 s8, s10;
	s25 =	sadd.s32 s8, s11  }
0x10: {  	s26 =	sadd.s32 s8, s12;
	s12 =	sadd.s32 s8, s13;
	s11 =	smul.u32 $0x50, s5  }
0x11: {  	s13 =	sadd.s32 s8, s14;
	s14 =	sadd.s32 s8, s16;
	s16 =	smul.u32 $0x50, s4  }
0x12: {  	s18 =	sadd.s32 s8, s18;
	s8 =	sadd.s32 s8, s21;
	s21 =	smul.u32 $0x2710, s24  }
0x13: {  	s5 =	smul.u32 $0x5000, s5  }
0x14: {  	s4 =	smul.u32 $0x5000, s4  }
0x15: {  	[dreg:$0x4] =	wrdreg s10;
	s10 =	smul.u32 $0x50, s6  }
0x16: {  	s9 =	sadd.s32 $0x4E20, s9;
	[dreg:$0x5] =	wrdreg s25;
	s25 =	smul.u32 $0x50, s2  }
0x17: {  	[dreg:$0x6] =	wrdreg s26;
	s26 =	sadd.s32 s17, s9;
	s17 =	smul.u32 $0x50, s3  }
0x18: {  	[dreg:$0xa] =	wrdreg s18;
	s18 =	smul.u32 $0x50, s0  }
0x19: {  	[dreg:$0x8] =	wrdreg s13;
	s13 =	smul.u32 $0x4E2, s24  }
0x1a: {  	s6 =	smul.u32 $0x5000, s6  }
0x1b: {  	p0 =	sgt.u32 s0, $0x7C;
	[dreg:$0x7] =	wrdreg s12;
	s2 =	smul.u32 $0x5000, s2  }
0x1c: {  	s1 =	sshrl.u32 s1, $0x2;
	[dreg:$0x9] =	wrdreg s14;
	s3 =	smul.u32 $0x5000, s3  }
0x1d: {  	[dreg:$0xb] =	wrdreg s8;
	s8 =	sadd.s32 s23, s9;
	s0 =	smul.u32 $0x5000, s0  }
0x1e: {  	s11 =	sadd.s32 s11, s9;
	s12 =	sadd.s32 s16, s9;
	s15 =	sshll.u32 s26, $0x3  }
0x1f: {  	s23 =	sshrl.u32 s21, $0x3;
	s8 =	sshll.u32 s8, $0x3;
	s21 =	sadd.s32 $0xAA00, s7  }
0x20: {  	s5 =	sshrl.u32 s5, $0x2;
	s4 =	sshrl.u32 s4, $0x2;
	s10 =	sadd.s32 s10, s9  }
0x21: {  	s14 =	sadd.s32 s25, s9;
	s16 =	sadd.s32 s17, s9;
	s18 =	sadd.s32 s18, s9  }
0x22: {  	s9 =	simm.s32 $0x0;
	s24 =	sshll.u32 s11, $0x3;
	s11 =	rddreg [dreg:$0x1]  }
0x23: {  	s15 =	sadd.s32 s19, s15;
	s25 =	sshll.u32 s12, $0x3;
	s17 =	rddreg [dreg:$0x2]  }
0x24: {  	s8 =	sadd.s32 s19, s8;
	s6 =	sshrl.u32 s6, $0x2;
	[smem:$0x7FF] =	sst s9  }
0x25: {  	s0 =	sshrl.u32 s0, $0x2;
	[dreg:$0xc] =	wrdreg s15;
	s10 =	sshll.u32 s10, $0x3  }
0x26: {  	s26 =	sadd.s32 s19, s25;
	[dreg:$0x10] =	wrdreg s8;
	s12 =	sshll.u32 s16, $0x3  }
0x27: {  	s15 =	sadd.s32 s11, s23;
	s16 =	sadd.s32 s13, s7;
	s28 =	sadd.s32 s5, s17  }
0x28: {  	s29 =	sadd.s32 s4, s17;
	s30 =	sadd.s32 s1, s17;
	s23 =	sshrl.u32 s2, $0x2  }
0x29: {  	s0 =	sadd.s32 s0, s17;
	s1 =	simm.s32 $0x3;
	s2 =	simm.s32 $0xB220  }
0x2a: {  	s4 =	simm.s32 $0x4E20;
	s5 =	simm.s32 $0x8020;
	s10 =	sadd.s32 s19, s10  }
0x2b: {  	[dreg:$0xf] =	wrdreg s26;
	s26 =	sadd.s32 s6, s17;
	s31 =	sadd.s32 s23, s17  }
0x2c: {  	s6 =	simm.s32 $0x1;
	[dreg:$0xd] =	wrdreg s10;
	s10 =	sadd.s32 s19, s24  }
0x2d: {  	s24 =	sshrl.u32 s3, $0x2;
	[dreg:$0xe] =	wrdreg s10;
	s10 =	sshll.u32 s14, $0x3  }
0x2e: {  	s3 =	simm.s32 $0xC8;
	s14 =	sshll.u32 s18, $0x3;
	s8 =	sadd.s32 s19, s10  }
0x2f: {  	s18 =	sadd.s32 $0xC00, s16;
	[dreg:$0x11] =	wrdreg s8;
	s8 =	sadd.s32 s19, s12  }
0x30: {  	s10 =	sadd.s32 s11, s13;
	[dreg:$0x12] =	wrdreg s8;
	s8 =	sadd.s32 s19, s14  }
0x31: {  	s11 =	simm.s32 $0x0;
	s19 =	smul.u32 $0x5000, s22;
	[dreg:$0x13] =	wrdreg s8  }
0x32: {  	s22 =	smax.u32 s20, $0x1;
	_ =	strace $0x80000047;
	[dreg:$0x14] =	wrdreg s10  }
0x33: {  	s8 =	sadd.s32 $0x9C40, s15;
	s15 =	sadd.s32 s24, s17;
	[dreg:$0x15] =	wrdreg s18  }
0x34: {  	s24 =	simm.s32 $0x4C90;
	[dreg:$0x16] =	wrdreg s8;
	s7 =	sshrl.u32 s19, $0x2  }
0x35: {  	v0 =	vimm.f32 $0.0e+00;
	[dreg:$0x17] =	wrdreg s22;
	s25 =	sadd.s32 s7, s17;
	s7 =	simm.s32 $0x2  }
.LBB2_1:
0x36: {  	s8 =	rddreg [dreg:$0x15];
	s10 =	simm.s32 $0x2710  }
0x37: {  	[tilespmem:s10], [sflag:$0x3] =	stream.linear.gather [hbm4b:s8+s9], $0x2710, $0x38;
	[tilespmem:$0x162A0] =	vst v63  }
0x38: {  	s23 =	sand.u32 $0x7F00, s9;
	s13 =	sand.u32 $0x30, s9;
	_ =	swait.ge [sflag:s1], $0x2710  }
0x39: {  	s12 =	simm.s32 $0x40;
	s8 =	sshrl.u32 s23, $0x2;
	[sflag:s1] =	ssyncset.done $0x0  }
0x3a: {  	s14 =	sor.u32 s13, s8;
	s13 =	simm.s32 $0x0;
	[sflag:s1] =	ssyncadd.s32 $0xFFFFD8F0  }
.LBB2_2:
0x3b: {  	p1 =	sne.s32 s12, $0x4FC0  }
0x3c: {  	[tilespmem:s14+$0xB220] =	vst v0;
	s13 =	sadd.s32 $0x10, s13;
	s8 =	smov.u32 s12;
	s12 =	sadd.s32 $0x40, s12  }
.Ltmp0:
0x3d: {  	(pc) =	sbr.rel @p1 .LBB2_2-.Ltmp0, $4  }
0x3e: {  	_ = 	snop  }
0x3f: {  	s8 =	sand.u32 $0x7F00, s8  }
0x40: {  	s14 =	sand.u32 $0x30, s13;
	s8 =	sshrl.u32 s8, $0x2  }
0x41: {  	s14 =	sor.u32 s14, s8  }
0x42: {  	[tilespmem:s14+$0xB220] =	vst v0;
	s8 =	rddreg [dreg:$0x14]  }
0x43: {  	[tilespmem:s9], [sflag:$0x3] =	stream.linear.gather [hbm4b:s8+s9], $0x2710, $0x38;
	[tilespmem:$0x162A0] =	vst v63  }
0x44: {  	_ =	swait.ge [sflag:s1], $0x2710  }
0x45: {  	[sflag:s1] =	ssyncset.done $0x0  }
0x46: {  	[sflag:s1] =	ssyncadd.s32 $0xFFFFD8F0  }
0x47: {  	[spmem:s25] =	stream.linear.scatter [tilespmem:s2], [sflag:$0x3], $0x1400, $0x38;
	[tilespmem:$0x162A0] =	vst v63  }
0x48: {  	_ =	swait.ge [sflag:s1], $0x1400  }
0x49: {  	[sflag:s1] =	ssyncset.done $0x0  }
0x4a: {  	[sflag:s1] =	ssyncadd.s32 $0xFFFFEC00  }
0x4b: {  	[spmem:s26] =	stream.linear.scatter [tilespmem:s2], [sflag:$0x3], $0x1400, $0x38;
	[tilespmem:$0x162A0] =	vst v63  }
0x4c: {  	_ =	swait.ge [sflag:s1], $0x1400  }
0x4d: {  	[sflag:s1] =	ssyncset.done $0x0  }
0x4e: {  	[sflag:s1] =	ssyncadd.s32 $0xFFFFEC00  }
0x4f: {  	[spmem:s28] =	stream.linear.scatter [tilespmem:s2], [sflag:$0x3], $0x1400, $0x38;
	[tilespmem:$0x162A0] =	vst v63  }
0x50: {  	_ =	swait.ge [sflag:s1], $0x1400  }
0x51: {  	[sflag:s1] =	ssyncset.done $0x0  }
0x52: {  	[sflag:s1] =	ssyncadd.s32 $0xFFFFEC00  }
0x53: {  	[spmem:s29] =	stream.linear.scatter [tilespmem:s2], [sflag:$0x3], $0x1400, $0x38;
	[tilespmem:$0x162A0] =	vst v63  }
0x54: {  	_ =	swait.ge [sflag:s1], $0x1400  }
0x55: {  	[sflag:s1] =	ssyncset.done $0x0  }
0x56: {  	[sflag:s1] =	ssyncadd.s32 $0xFFFFEC00  }
0x57: {  	[spmem:s30] =	stream.linear.scatter [tilespmem:s2], [sflag:$0x3], $0x1400, $0x38;
	[tilespmem:$0x162A0] =	vst v63  }
0x58: {  	_ =	swait.ge [sflag:s1], $0x1400  }
0x59: {  	[sflag:s1] =	ssyncset.done $0x0  }
0x5a: {  	[sflag:s1] =	ssyncadd.s32 $0xFFFFEC00  }
0x5b: {  	[spmem:s31] =	stream.linear.scatter [tilespmem:s2], [sflag:$0x3], $0x1400, $0x38;
	[tilespmem:$0x162A0] =	vst v63  }
0x5c: {  	_ =	swait.ge [sflag:s1], $0x1400  }
0x5d: {  	[sflag:s1] =	ssyncset.done $0x0  }
0x5e: {  	[sflag:s1] =	ssyncadd.s32 $0xFFFFEC00  }
0x5f: {  	[spmem:s15] =	stream.linear.scatter [tilespmem:s2], [sflag:$0x3], $0x1400, $0x38;
	[tilespmem:$0x162A0] =	vst v63  }
0x60: {  	_ =	swait.ge [sflag:s1], $0x1400  }
0x61: {  	[sflag:s1] =	ssyncset.done $0x0  }
0x62: {  	s8 =	simm.s32 @!p0 $0xB220;
	[sflag:s1] =	ssyncadd.s32 $0xFFFFEC00  }
0x63: {  	[spmem:s0] =	stream.linear.scatter @!p0 [tilespmem:s8], [sflag:$0x3], $0x1400, $0x38;
	[tilespmem:$0x162A0] =	vst v63  }
0x64: {  	s8 =	simm.s32 @!p0 $0x3  }
0x65: {  	_ =	swait.ge @!p0 [sflag:s8], $0x1400  }
0x66: {  	[sflag:s8] =	ssyncset.done @!p0 $0x0  }
0x67: {  	[sflag:s8] =	ssyncadd.s32 @!p0 $0xFFFFEC00  }
0x68: {  	s19 =	simm.s32 $0x0;
	[bflag:$0x0] =	sbarrier.arrive $0xFFFF  }
0x69: {  	[tilespmem:s4], [sflag:$0x1] =	stream.indirect.gather [hbm4b:s21+s3], $0x40, s19, s3, $0xb8;
	[tilespmem:$0x162A0] =	vst v63  }
0x6a: {  	_ = 	snop  }
0x6b: {  	[tilespmem:s5], [sflag:$0x2] =	stream.indirect.gather [hbm4b:s21+s3], $0x40, s3, s3, $0xb8;
	[tilespmem:$0x162A0] =	vst v63  }
0x6c: {  	_ =	swait.ge [sflag:s6], $0x3200  }
0x6d: {  	[sflag:s6] =	ssyncset.done $0x0  }
0x6e: {  	s20 =	simm.s32 $0x2710;
	[sflag:s6] =	ssyncadd.s32 $0xFFFFCE00  }
0x6f: {  	[spmem:s17] =	stream.indirect.scatter.add.f32 [tilespmem:s4], [sflag:$0x3], $0x40, s20, s3, $0xb8;
	[tilespmem:$0x162A0] =	vst v63  }
0x70: {  	_ =	swait.ge [sflag:s1], $0x3200  }
0x71: {  	[sflag:s1] =	ssyncset.done $0x0  }
0x72: {  	s22 =	simm.s32 $0x190;
	[sflag:s1] =	ssyncadd.s32 $0xFFFFCE00  }
0x73: {  	[tilespmem:s4], [sflag:$0x1] =	stream.indirect.gather [hbm4b:s21+s3], $0x40, s22, s3, $0xb8;
	[tilespmem:$0x162A0] =	vst v63  }
0x74: {  	_ =	swait.ge [sflag:s7], $0x3200  }
0x75: {  	[sflag:s7] =	ssyncset.done $0x0  }
0x76: {  	s23 =	simm.s32 $0x27D8;
	[sflag:s7] =	ssyncadd.s32 $0xFFFFCE00  }
0x77: {  	[spmem:s17] =	stream.indirect.scatter.add.f32 [tilespmem:s5], [sflag:$0x3], $0x40, s23, s3, $0xb8;
	[tilespmem:$0x162A0] =	vst v63  }
0x78: {  	_ =	swait.ge [sflag:s1], $0x3200  }
0x79: {  	[sflag:s1] =	ssyncset.done $0x0  }
0x7a: {  	s12 =	simm.s32 $0x640;
	s13 =	simm.s32 $0x258;
	[sflag:s1] =	ssyncadd.s32 $0xFFFFCE00  }
.LBB2_4:
0x7b: {  	[tilespmem:s5], [sflag:$0x2] =	stream.indirect.gather [hbm4b:s21+s3], $0x40, s13, s3, $0xb8;
	[tilespmem:$0x162A0] =	vst v63  }
0x7c: {  	s8 =	smov.u32 s12  }
0x7d: {  	p1 =	sne.s32 s12, $0x8FC0;
	s12 =	sadd.s32 $0x640, s12;
	_ =	swait.ge [sflag:s6], $0x3200  }
0x7e: {  	s8 =	sshra.s32 s8, $0x2;
	[sflag:s6] =	ssyncset.done $0x0  }
0x7f: {  	s13 =	sadd.s32 $0x2710, s8;
	[sflag:s6] =	ssyncadd.s32 $0xFFFFCE00  }
0x80: {  	[spmem:s17] =	stream.indirect.scatter.add.f32 [tilespmem:s4], [sflag:$0x3], $0x40, s13, s3, $0xb8;
	[tilespmem:$0x162A0] =	vst v63  }
0x81: {  	_ =	swait.ge [sflag:s1], $0x3200  }
0x82: {  	[sflag:s1] =	ssyncset.done $0x0  }
0x83: {  	s13 =	sadd.s32 $0x190, s8;
	[sflag:s1] =	ssyncadd.s32 $0xFFFFCE00  }
0x84: {  	[tilespmem:s4], [sflag:$0x1] =	stream.indirect.gather [hbm4b:s21+s3], $0x40, s13, s3, $0xb8;
	[tilespmem:$0x162A0] =	vst v63  }
0x85: {  	_ =	swait.ge [sflag:s7], $0x3200  }
0x86: {  	[sflag:s7] =	ssyncset.done $0x0  }
.Ltmp1:
0x87: {  	s13 =	sadd.s32 $0x27D8, s8;
	[sflag:s7] =	ssyncadd.s32 $0xFFFFCE00;
	(pc) =	sbr.rel @p1 .LBB2_4-.Ltmp1, $4  }
0x88: {  	[spmem:s17] =	stream.indirect.scatter.add.f32 [tilespmem:s5], [sflag:$0x3], $0x40, s13, s3, $0xb8;
	[tilespmem:$0x162A0] =	vst v63  }
0x89: {  	_ =	swait.ge [sflag:s1], $0x3200  }
0x8a: {  	[sflag:s1] =	ssyncset.done $0x0  }
0x8b: {  	s13 =	sadd.s32 $0x258, s8;
	[sflag:s1] =	ssyncadd.s32 $0xFFFFCE00  }
0x8c: {  	[tilespmem:s5], [sflag:$0x2] =	stream.indirect.gather [hbm4b:s21+s3], $0x40, s13, s3, $0xb8;
	[tilespmem:$0x162A0] =	vst v63  }
0x8d: {  	_ =	swait.ge [sflag:s6], $0x3200  }
0x8e: {  	[sflag:s6] =	ssyncset.done $0x0  }
0x8f: {  	[sflag:s6] =	ssyncadd.s32 $0xFFFFCE00  }
0x90: {  	[spmem:s17] =	stream.indirect.scatter.add.f32 [tilespmem:s4], [sflag:$0x3], $0x40, s24, s3, $0xb8;
	[tilespmem:$0x162A0] =	vst v63  }
0x91: {  	_ =	swait.ge [sflag:s1], $0x3200  }
0x92: {  	[sflag:s1] =	ssyncset.done $0x0  }
0x93: {  	[sflag:s1] =	ssyncadd.s32 $0xFFFFCE00  }
0x94: {  	_ =	swait.ge [sflag:s7], $0x3200  }
0x95: {  	[sflag:s7] =	ssyncset.done $0x0  }
0x96: {  	s8 =	simm.s32 $0x4D58;
	[sflag:s7] =	ssyncadd.s32 $0xFFFFCE00  }
0x97: {  	[spmem:s17] =	stream.indirect.scatter.add.f32 [tilespmem:s5], [sflag:$0x3], $0x40, s8, s3, $0xb8;
	[tilespmem:$0x162A0] =	vst v63  }
0x98: {  	_ =	swait.ge [sflag:s1], $0x3200  }
0x99: {  	[sflag:s1] =	ssyncset.done $0x0  }
0x9a: {  	s14 =	stileid.u32;
	[sflag:s1] =	ssyncadd.s32 $0xFFFFCE00  }
0x9b: {  	s8 =	sshll.u32 s14, $0x6;
	[bflag:$0x0] =	sbarrier.arrive $0xFFFF  }
0x9c: {  	s13 =	sshrl.u32 s25, $0x3;
	s12 =	sor.u32 $0x1C03, s8;
	s16 =	rddreg [dreg:$0x4]  }
0x9d: {  	[hbm:s16], [sflag:s12] =	dma.local [spmem:s13], $0x280  }
0x9e: {  	_ =	swait.ge [sflag:s1], $0x280  }
0x9f: {  	[sflag:s1] =	ssyncset.done $0x0  }
0xa0: {  	s14 =	sshrl.u32 s26, $0x3;
	s18 =	rddreg [dreg:$0x5];
	[sflag:s1] =	ssyncadd.s32 $0xFFFFFD80  }
0xa1: {  	[hbm:s18], [sflag:s12] =	dma.local [spmem:s14], $0x280  }
0xa2: {  	_ =	swait.ge [sflag:s1], $0x280  }
0xa3: {  	[sflag:s1] =	ssyncset.done $0x0  }
0xa4: {  	s16 =	sshrl.u32 s28, $0x3;
	s19 =	rddreg [dreg:$0x6];
	[sflag:s1] =	ssyncadd.s32 $0xFFFFFD80  }
0xa5: {  	[hbm:s19], [sflag:s12] =	dma.local [spmem:s16], $0x280  }
0xa6: {  	_ =	swait.ge [sflag:s1], $0x280  }
0xa7: {  	[sflag:s1] =	ssyncset.done $0x0  }
0xa8: {  	s18 =	sshrl.u32 s29, $0x3;
	s20 =	rddreg [dreg:$0x7];
	[sflag:s1] =	ssyncadd.s32 $0xFFFFFD80  }
0xa9: {  	[hbm:s20], [sflag:s12] =	dma.local [spmem:s18], $0x280  }
0xaa: {  	_ =	swait.ge [sflag:s1], $0x280  }
0xab: {  	[sflag:s1] =	ssyncset.done $0x0  }
0xac: {  	s19 =	sshrl.u32 s30, $0x3;
	s22 =	rddreg [dreg:$0x8];
	[sflag:s1] =	ssyncadd.s32 $0xFFFFFD80  }
0xad: {  	[hbm:s22], [sflag:s12] =	dma.local [spmem:s19], $0x280  }
0xae: {  	_ =	swait.ge [sflag:s1], $0x280  }
0xaf: {  	[sflag:s1] =	ssyncset.done $0x0  }
0xb0: {  	s20 =	sshrl.u32 s31, $0x3;
	s23 =	rddreg [dreg:$0x9];
	[sflag:s1] =	ssyncadd.s32 $0xFFFFFD80  }
0xb1: {  	[hbm:s23], [sflag:s12] =	dma.local [spmem:s20], $0x280  }
0xb2: {  	_ =	swait.ge [sflag:s1], $0x280  }
0xb3: {  	[sflag:s1] =	ssyncset.done $0x0  }
0xb4: {  	s22 =	sshrl.u32 s15, $0x3;
	s24 =	rddreg [dreg:$0xa];
	[sflag:s1] =	ssyncadd.s32 $0xFFFFFD80  }
0xb5: {  	[hbm:s24], [sflag:s12] =	dma.local [spmem:s22], $0x280  }
0xb6: {  	_ =	swait.ge [sflag:s1], $0x280  }
0xb7: {  	[sflag:s1] =	ssyncset.done $0x0  }
0xb8: {  	s23 =	sshrl.u32 @!p0 s0, $0x3;
	s8 =	rddreg [dreg:$0xb];
	[sflag:s1] =	ssyncadd.s32 $0xFFFFFD80  }
0xb9: {  	[hbm:s8], [sflag:s12] =	dma.local @!p0 [spmem:s23], $0x280  }
0xba: {  	s8 =	simm.s32 @!p0 $0x3  }
0xbb: {  	_ =	swait.ge @!p0 [sflag:s8], $0x280  }
0xbc: {  	[sflag:s8] =	ssyncset.done @!p0 $0x0  }
0xbd: {  	s10 =	rddreg [dreg:$0x16];
	[sflag:s8] =	ssyncadd.s32 @!p0 $0xFFFFFD80  }
0xbe: {  	[tilespmem:s9], [sflag:$0x3] =	stream.linear.gather [hbm4b:s10+s9], $0x2710, $0x38;
	[tilespmem:$0x162A0] =	vst v63  }
0xbf: {  	_ =	swait.ge [sflag:s1], $0x2710  }
0xc0: {  	[sflag:s1] =	ssyncset.done $0x0  }
0xc1: {  	[sflag:s1] =	ssyncadd.s32 $0xFFFFD8F0  }
0xc2: {  	[spmem:s25] =	stream.linear.scatter [tilespmem:s2], [sflag:$0x3], $0x1400, $0x38;
	[tilespmem:$0x162A0] =	vst v63  }
0xc3: {  	_ =	swait.ge [sflag:s1], $0x1400  }
0xc4: {  	[sflag:s1] =	ssyncset.done $0x0  }
0xc5: {  	[sflag:s1] =	ssyncadd.s32 $0xFFFFEC00  }
0xc6: {  	[spmem:s26] =	stream.linear.scatter [tilespmem:s2], [sflag:$0x3], $0x1400, $0x38;
	[tilespmem:$0x162A0] =	vst v63  }
0xc7: {  	_ =	swait.ge [sflag:s1], $0x1400  }
0xc8: {  	[sflag:s1] =	ssyncset.done $0x0  }
0xc9: {  	[sflag:s1] =	ssyncadd.s32 $0xFFFFEC00  }
0xca: {  	[spmem:s28] =	stream.linear.scatter [tilespmem:s2], [sflag:$0x3], $0x1400, $0x38;
	[tilespmem:$0x162A0] =	vst v63  }
0xcb: {  	_ =	swait.ge [sflag:s1], $0x1400  }
0xcc: {  	[sflag:s1] =	ssyncset.done $0x0  }
0xcd: {  	[sflag:s1] =	ssyncadd.s32 $0xFFFFEC00  }
0xce: {  	[spmem:s29] =	stream.linear.scatter [tilespmem:s2], [sflag:$0x3], $0x1400, $0x38;
	[tilespmem:$0x162A0] =	vst v63  }
0xcf: {  	_ =	swait.ge [sflag:s1], $0x1400  }
0xd0: {  	[sflag:s1] =	ssyncset.done $0x0  }
0xd1: {  	[sflag:s1] =	ssyncadd.s32 $0xFFFFEC00  }
0xd2: {  	[spmem:s30] =	stream.linear.scatter [tilespmem:s2], [sflag:$0x3], $0x1400, $0x38;
	[tilespmem:$0x162A0] =	vst v63  }
0xd3: {  	_ =	swait.ge [sflag:s1], $0x1400  }
0xd4: {  	[sflag:s1] =	ssyncset.done $0x0  }
0xd5: {  	[sflag:s1] =	ssyncadd.s32 $0xFFFFEC00  }
0xd6: {  	[spmem:s31] =	stream.linear.scatter [tilespmem:s2], [sflag:$0x3], $0x1400, $0x38;
	[tilespmem:$0x162A0] =	vst v63  }
0xd7: {  	_ =	swait.ge [sflag:s1], $0x1400  }
0xd8: {  	[sflag:s1] =	ssyncset.done $0x0  }
0xd9: {  	[sflag:s1] =	ssyncadd.s32 $0xFFFFEC00  }
0xda: {  	[spmem:s15] =	stream.linear.scatter [tilespmem:s2], [sflag:$0x3], $0x1400, $0x38;
	[tilespmem:$0x162A0] =	vst v63  }
0xdb: {  	_ =	swait.ge [sflag:s1], $0x1400  }
0xdc: {  	[sflag:s1] =	ssyncset.done $0x0  }
0xdd: {  	s24 =	simm.s32 @!p0 $0xB220;
	[sflag:s1] =	ssyncadd.s32 $0xFFFFEC00  }
0xde: {  	[spmem:s0] =	stream.linear.scatter @!p0 [tilespmem:s24], [sflag:$0x3], $0x1400, $0x38;
	[tilespmem:$0x162A0] =	vst v63  }
0xdf: {  	_ =	swait.ge @!p0 [sflag:s8], $0x1400  }
0xe0: {  	[sflag:s8] =	ssyncset.done @!p0 $0x0  }
0xe1: {  	[sflag:s8] =	ssyncadd.s32 @!p0 $0xFFFFEC00  }
0xe2: {  	s10 =	simm.s32 $0x0;
	[bflag:$0x0] =	sbarrier.arrive $0xFFFF  }
0xe3: {  	[tilespmem:s4], [sflag:$0x1] =	stream.indirect.gather [hbm4b:s21+s3], $0x40, s10, s3, $0xb8;
	[tilespmem:$0x162A0] =	vst v63  }
0xe4: {  	_ = 	snop  }
0xe5: {  	[tilespmem:s5], [sflag:$0x2] =	stream.indirect.gather [hbm4b:s21+s3], $0x40, s3, s3, $0xb8;
	[tilespmem:$0x162A0] =	vst v63  }
0xe6: {  	_ =	swait.ge [sflag:s6], $0x3200  }
0xe7: {  	[sflag:s6] =	ssyncset.done $0x0  }
0xe8: {  	s24 =	simm.s32 $0x2710;
	[sflag:s6] =	ssyncadd.s32 $0xFFFFCE00  }
0xe9: {  	[spmem:s17] =	stream.indirect.scatter.add.f32 [tilespmem:s4], [sflag:$0x3], $0x40, s24, s3, $0xb8;
	[tilespmem:$0x162A0] =	vst v63  }
0xea: {  	_ =	swait.ge [sflag:s1], $0x3200  }
0xeb: {  	[sflag:s1] =	ssyncset.done $0x0  }
0xec: {  	s10 =	simm.s32 $0x190;
	[sflag:s1] =	ssyncadd.s32 $0xFFFFCE00  }
0xed: {  	[tilespmem:s4], [sflag:$0x1] =	stream.indirect.gather [hbm4b:s21+s3], $0x40, s10, s3, $0xb8;
	[tilespmem:$0x162A0] =	vst v63  }
0xee: {  	_ =	swait.ge [sflag:s7], $0x3200  }
0xef: {  	[sflag:s7] =	ssyncset.done $0x0  }
0xf0: {  	s24 =	simm.s32 $0x27D8;
	[sflag:s7] =	ssyncadd.s32 $0xFFFFCE00  }
0xf1: {  	[spmem:s17] =	stream.indirect.scatter.add.f32 [tilespmem:s5], [sflag:$0x3], $0x40, s24, s3, $0xb8;
	[tilespmem:$0x162A0] =	vst v63  }
0xf2: {  	_ =	swait.ge [sflag:s1], $0x3200  }
0xf3: {  	[sflag:s1] =	ssyncset.done $0x0  }
0xf4: {  	s8 =	simm.s32 $0x258;
	s24 =	simm.s32 $0x640;
	[sflag:s1] =	ssyncadd.s32 $0xFFFFCE00  }
.LBB2_6:
0xf5: {  	[tilespmem:s5], [sflag:$0x2] =	stream.indirect.gather [hbm4b:s21+s3], $0x40, s8, s3, $0xb8;
	[tilespmem:$0x162A0] =	vst v63  }
0xf6: {  	s8 =	smov.u32 s24  }
0xf7: {  	p1 =	sne.s32 s24, $0x8FC0;
	s24 =	sadd.s32 $0x640, s24;
	_ =	swait.ge [sflag:s6], $0x3200  }
0xf8: {  	s8 =	sshra.s32 s8, $0x2;
	[sflag:s6] =	ssyncset.done $0x0  }
0xf9: {  	s10 =	sadd.s32 $0x2710, s8;
	[sflag:s6] =	ssyncadd.s32 $0xFFFFCE00  }
0xfa: {  	[spmem:s17] =	stream.indirect.scatter.add.f32 [tilespmem:s4], [sflag:$0x3], $0x40, s10, s3, $0xb8;
	[tilespmem:$0x162A0] =	vst v63  }
0xfb: {  	_ =	swait.ge [sflag:s1], $0x3200  }
0xfc: {  	[sflag:s1] =	ssyncset.done $0x0  }
0xfd: {  	s10 =	sadd.s32 $0x190, s8;
	[sflag:s1] =	ssyncadd.s32 $0xFFFFCE00  }
0xfe: {  	[tilespmem:s4], [sflag:$0x1] =	stream.indirect.gather [hbm4b:s21+s3], $0x40, s10, s3, $0xb8;
	[tilespmem:$0x162A0] =	vst v63  }
0xff: {  	_ =	swait.ge [sflag:s7], $0x3200  }
0x100: {  	[sflag:s7] =	ssyncset.done $0x0  }
.Ltmp2:
0x101: {  	s10 =	sadd.s32 $0x27D8, s8;
	[sflag:s7] =	ssyncadd.s32 $0xFFFFCE00;
	(pc) =	sbr.rel @p1 .LBB2_6-.Ltmp2, $4  }
0x102: {  	[spmem:s17] =	stream.indirect.scatter.add.f32 [tilespmem:s5], [sflag:$0x3], $0x40, s10, s3, $0xb8;
	[tilespmem:$0x162A0] =	vst v63  }
0x103: {  	_ =	swait.ge [sflag:s1], $0x3200  }
0x104: {  	[sflag:s1] =	ssyncset.done $0x0  }
0x105: {  	s8 =	sadd.s32 $0x258, s8;
	[sflag:s1] =	ssyncadd.s32 $0xFFFFCE00  }
0x106: {  	[tilespmem:s5], [sflag:$0x2] =	stream.indirect.gather [hbm4b:s21+s3], $0x40, s8, s3, $0xb8;
	[tilespmem:$0x162A0] =	vst v63  }
0x107: {  	_ =	swait.ge [sflag:s6], $0x3200  }
0x108: {  	[sflag:s6] =	ssyncset.done $0x0  }
0x109: {  	s24 =	simm.s32 $0x4C90;
	[sflag:s6] =	ssyncadd.s32 $0xFFFFCE00  }
0x10a: {  	[spmem:s17] =	stream.indirect.scatter.add.f32 [tilespmem:s4], [sflag:$0x3], $0x40, s24, s3, $0xb8;
	[tilespmem:$0x162A0] =	vst v63  }
0x10b: {  	_ =	swait.ge [sflag:s1], $0x3200  }
0x10c: {  	[sflag:s1] =	ssyncset.done $0x0  }
0x10d: {  	[sflag:s1] =	ssyncadd.s32 $0xFFFFCE00  }
0x10e: {  	_ =	swait.ge [sflag:s7], $0x3200  }
0x10f: {  	[sflag:s7] =	ssyncset.done $0x0  }
0x110: {  	s10 =	simm.s32 $0x4D58;
	[sflag:s7] =	ssyncadd.s32 $0xFFFFCE00  }
0x111: {  	[spmem:s17] =	stream.indirect.scatter.add.f32 [tilespmem:s5], [sflag:$0x3], $0x40, s10, s3, $0xb8;
	[tilespmem:$0x162A0] =	vst v63  }
0x112: {  	_ =	swait.ge [sflag:s1], $0x3200  }
0x113: {  	[sflag:s1] =	ssyncset.done $0x0  }
0x114: {  	[sflag:s1] =	ssyncadd.s32 $0xFFFFCE00  }
0x115: {  	[bflag:$0x0] =	sbarrier.arrive $0xFFFF  }
0x116: {  	s10 =	rddreg [dreg:$0xc]  }
0x117: {  	[hbm:s10], [sflag:s12] =	dma.local [spmem:s13], $0x280  }
0x118: {  	_ =	swait.ge [sflag:s1], $0x280  }
0x119: {  	[sflag:s1] =	ssyncset.done $0x0  }
0x11a: {  	s13 =	rddreg [dreg:$0xd];
	[sflag:s1] =	ssyncadd.s32 $0xFFFFFD80  }
0x11b: {  	[hbm:s13], [sflag:s12] =	dma.local [spmem:s14], $0x280  }
0x11c: {  	_ =	swait.ge [sflag:s1], $0x280  }
0x11d: {  	[sflag:s1] =	ssyncset.done $0x0  }
0x11e: {  	s14 =	rddreg [dreg:$0xe];
	[sflag:s1] =	ssyncadd.s32 $0xFFFFFD80  }
0x11f: {  	[hbm:s14], [sflag:s12] =	dma.local [spmem:s16], $0x280  }
0x120: {  	_ =	swait.ge [sflag:s1], $0x280  }
0x121: {  	[sflag:s1] =	ssyncset.done $0x0  }
0x122: {  	s16 =	rddreg [dreg:$0xf];
	[sflag:s1] =	ssyncadd.s32 $0xFFFFFD80  }
0x123: {  	[hbm:s16], [sflag:s12] =	dma.local [spmem:s18], $0x280  }
0x124: {  	_ =	swait.ge [sflag:s1], $0x280  }
0x125: {  	[sflag:s1] =	ssyncset.done $0x0  }
0x126: {  	s18 =	rddreg [dreg:$0x10];
	[sflag:s1] =	ssyncadd.s32 $0xFFFFFD80  }
0x127: {  	[hbm:s18], [sflag:s12] =	dma.local [spmem:s19], $0x280  }
0x128: {  	_ =	swait.ge [sflag:s1], $0x280  }
0x129: {  	[sflag:s1] =	ssyncset.done $0x0  }
0x12a: {  	s19 =	rddreg [dreg:$0x11];
	[sflag:s1] =	ssyncadd.s32 $0xFFFFFD80  }
0x12b: {  	[hbm:s19], [sflag:s12] =	dma.local [spmem:s20], $0x280  }
0x12c: {  	_ =	swait.ge [sflag:s1], $0x280  }
0x12d: {  	[sflag:s1] =	ssyncset.done $0x0  }
0x12e: {  	s20 =	rddreg [dreg:$0x12];
	[sflag:s1] =	ssyncadd.s32 $0xFFFFFD80  }
0x12f: {  	[hbm:s20], [sflag:s12] =	dma.local [spmem:s22], $0x280  }
0x130: {  	_ =	swait.ge [sflag:s1], $0x280  }
0x131: {  	[sflag:s1] =	ssyncset.done $0x0  }
0x132: {  	s8 =	rddreg [dreg:$0x13];
	[sflag:s1] =	ssyncadd.s32 $0xFFFFFD80  }
0x133: {  	[hbm:s8], [sflag:s12] =	dma.local @!p0 [spmem:s23], $0x280  }
0x134: {  	s8 =	simm.s32 @!p0 $0x3  }
0x135: {  	_ =	swait.ge @!p0 [sflag:s8], $0x280  }
0x136: {  	s11 =	sadd.s32 $0x1, s11;
	s10 =	rddreg [dreg:$0x17]  }
0x137: {  	p1 =	sne.s32 s11, s10  }
.Ltmp3:
0x138: {  	_ = 	snop;
	(pc) =	sbr.rel @p1 .LBB2_1-.Ltmp3, $3  }
0x139: {  	_ =	sdelay $0x1  }
0x13a: {  	[sflag:s8] =	ssyncset.done @!p0 $0x0  }
0x13b: {  	[sflag:s8] =	ssyncadd.s32 @!p0 $0xFFFFFD80  }
0x13c: {  	_ =	sfence.sel $0x180000  }
0x13d: {  	[bflag:$0x0] =	sbarrier.arrive $0xFFFF  }
0x13e: {  	_ =	strace $0x90000047  }
0x13f: {  	s0 =	stileid.u32;
	[bflag:$0x2] =	sbarrier.arrive $0xFFFF  }
0x140: {  	p0 =	sne.s32 s0, $0x0;
	s0 =	rddreg [dreg:$0x3]  }
0x141: {  	s0 =	sadd.s32 @!p0 $0x100000, s0  }
0x142: {  	[sflag:s0] =	ssyncadd.tile.s32 @!p0 $0x1;
	_ =	shalt  }
.Lfunc_end2:
_tile_overlayer_lowered:
.L_overlay_start_2:
0x143: {  	(tag) =	ssettag $0x2  }
0x144: {  	s0 =	rddreg [dreg:$0x0];
	s2 =	stileid.u32  }
0x145: {  	s1 =	rddreg [dreg:$0x1];
	p0 =	sne.s32 s2, $0x0  }
0x146: {  	s3 =	rddreg [dreg:$0x2];
	[bflag:$0x3] =	sbarrier.arrive $0xFFFF;
	s2 =	simm.s32 @!p0 $0x1C03  }
0x147: {  	[timem:s3], [sflag:s2] =	dma.local @!p0 [hbm:s0], s1  }
0x148: {  	s0 =	simm.s32 @!p0 $0x3  }
0x149: {  	_ =	swait.ge @!p0 [sflag:s0], s1  }
0x14a: {  	s1 =	ssub.s32 @!p0 $0x0, s1;
	[sflag:s0] =	ssyncset.done @!p0 $0x0  }
0x14b: {  	[sflag:s0] =	ssyncadd.s32 @!p0 s1  }
0x14c: {  	[bflag:$0x3] =	sbarrier.arrive $0xFFFF  }
0x14d: {  	_ =	shalt  }

</sc_bundles>
